<compile_context>
chip_gen: v7x
topology: tpu7x:2x2x1
jax: 0.10.2.dev20260603
libtpu: 0.0.44.dev20260713+nightly
codegen_flags: <defaults>
</compile_context>

<pallas_src>
import jax
import jax.numpy as jnp
from jax import lax
from jax.experimental import pallas as pl
from jax.experimental.pallas import tpu as pltpu
from jax.experimental.pallas import tpu_sc as plsc

EMBED_DIM = 64
ROW_W = 128
N_ROWS = 6400
NC, NS = 2, 16
NW = NC * NS
ROWS_PER_W = N_ROWS // NW
NBUF = 8
OUTER = ROWS_PER_W // NBUF


def _body(idx_hbm, table_hbm, out_hbm, idx_v, bufs, sems_g, sems_o):
    wid = lax.axis_index("s") * NC + lax.axis_index("c")
    row0 = wid * ROWS_PER_W

    pltpu.sync_copy(idx_hbm.at[pl.ds(row0, ROWS_PER_W)], idx_v)

    def fire(h, b):
        pltpu.async_copy(table_hbm.at[idx_v.at[h]], bufs.at[b], sems_g[b])

    def drain_gather(b):
        pltpu.make_async_copy(table_hbm.at[idx_v.at[0]], bufs.at[b],
                              sems_g[b]).wait()

    def fire_out(g, b):
        pltpu.async_copy(bufs.at[b], out_hbm.at[row0 + g], sems_o[b])

    def drain_out(b):
        pltpu.make_async_copy(bufs.at[b], out_hbm.at[row0], sems_o[b]).wait()

    for b in range(NBUF - 1):
        fire(b, b)

    def step(i, _):
        for b in range(NBUF):
            g = i * NBUF + b
            h = g + NBUF - 1

            @pl.when(h < ROWS_PER_W)
            def _():
                @pl.when(g >= 1)
                def _():
                    drain_out((b - 1) % NBUF)
                fire(h, (b - 1) % NBUF)

            drain_gather(b)
            fire_out(g, b)
        return ()

    lax.fori_loop(0, OUTER, step, (), unroll=False)

    for b in range(NBUF):
        drain_out(b)


@jax.jit
def _embed(text_flat, table):
    mesh = plsc.VectorSubcoreMesh(
        core_axis_name="c", subcore_axis_name="s", num_cores=NC, num_subcores=NS
    )
    out = pl.kernel(
        _body,
        out_type=jax.ShapeDtypeStruct((N_ROWS, ROW_W, EMBED_DIM), jnp.float32),
        mesh=mesh,
        scratch_types=[
            pltpu.VMEM((ROWS_PER_W, ROW_W), jnp.int32),
            pltpu.VMEM((NBUF, ROW_W, EMBED_DIM), jnp.float32),
            [pltpu.SemaphoreType.DMA] * NBUF,
            [pltpu.SemaphoreType.DMA] * NBUF,
        ],
        compiler_params=pltpu.CompilerParams(use_tc_tiling_on_sc=False),
    )(text_flat, table)
    return out


def kernel(text, table):
    b, s = text.shape
    text_flat = text.reshape(N_ROWS, ROW_W)
    out = _embed(text_flat, table)
    return out.reshape(b, s, EMBED_DIM)

# --- scband reference (transcript-rebuilt; emitter-appended) ---
"""Pipeline reference for scband-word-embeddor-17910013625039 (READ-ONLY COPY).

The authoritative reference and input builder live on the scoring server;
editing this copy changes nothing except your own understanding.
"""

import jax, jax.numpy as jnp
import numpy as np

VOCAB = 1000000
EMBED_DIM = 64
BATCH = 4096
SEQ = 200


def setup_inputs(seed: int = 0) -> dict:
    key = jax.random.key(seed)
    k_text, k_table = jax.random.split(key)
    text = jax.random.randint(k_text, (BATCH, SEQ), 0, VOCAB, dtype=jnp.int64 if jax.config.jax_enable_x64 else jnp.int32)
    table = jax.random.normal(k_table, (VOCAB, EMBED_DIM), dtype=jnp.float32)
    return {"text": text, "table": table}


def reference(text, table):
    # WordEmbeddor.forward: self.embed(text) -> gather rows of the pretrained table
    return jnp.take(table, text, axis=0)

if __name__ == "__main__":
    import jax
    _d = setup_inputs()
    print(jax.jit(kernel)(*tuple(_d.values())))

</pallas_src>

<mosaic_0001>
#map = affine_map<(d0, d1) -> (0, 0)>
#map1 = affine_map<(d0, d1) -> (0, 0, 0)>
module attributes {stable_mosaic.version = 14 : i64} {
  func.func @_body(%arg0: i32, %arg1: i32, %arg2: memref<6400x128xi32, #tpu.memory_space<hbm>>, %arg3: memref<1000000x64xf32, #tpu.memory_space<hbm>>, %arg4: memref<6400x128x64xf32, #tpu.memory_space<hbm>>, %arg5: memref<200x128xi32, #tpu.memory_space<vmem>>, %arg6: memref<8x128x64xf32, #tpu.memory_space<vmem>>, %arg7: memref<!tpu.dma_semaphore, #tpu.memory_space<semaphore_mem>>, %arg8: memref<!tpu.dma_semaphore, #tpu.memory_space<semaphore_mem>>, %arg9: memref<!tpu.dma_semaphore, #tpu.memory_space<semaphore_mem>>, %arg10: memref<!tpu.dma_semaphore, #tpu.memory_space<semaphore_mem>>, %arg11: memref<!tpu.dma_semaphore, #tpu.memory_space<semaphore_mem>>, %arg12: memref<!tpu.dma_semaphore, #tpu.memory_space<semaphore_mem>>, %arg13: memref<!tpu.dma_semaphore, #tpu.memory_space<semaphore_mem>>, %arg14: memref<!tpu.dma_semaphore, #tpu.memory_space<semaphore_mem>>, %arg15: memref<!tpu.dma_semaphore, #tpu.memory_space<semaphore_mem>>, %arg16: memref<!tpu.dma_semaphore, #tpu.memory_space<semaphore_mem>>, %arg17: memref<!tpu.dma_semaphore, #tpu.memory_space<semaphore_mem>>, %arg18: memref<!tpu.dma_semaphore, #tpu.memory_space<semaphore_mem>>, %arg19: memref<!tpu.dma_semaphore, #tpu.memory_space<semaphore_mem>>, %arg20: memref<!tpu.dma_semaphore, #tpu.memory_space<semaphore_mem>>, %arg21: memref<!tpu.dma_semaphore, #tpu.memory_space<semaphore_mem>>, %arg22: memref<!tpu.dma_semaphore, #tpu.memory_space<semaphore_mem>>) attributes {dimension_semantics = [#tpu.dimension_semantics<core_parallel>, #tpu.dimension_semantics<subcore_parallel>], iteration_bounds = array<i64: 2, 16>, scalar_prefetch = 0 : i64, scratch_operands = 18 : i64, tpu.core_type = #tpu.core_type<sc_vector_subcore>, window_params = [{transform_indices = #map}, {transform_indices = #map}, {transform_indices = #map1}]} {
    %mul3A = arith.constant 2 : i32
    %mul3A_0 = arith.muli %arg1, %mul3A : i32
    %add3A = arith.addi %mul3A_0, %arg0 : i32
    %mul3A_1 = arith.constant 200 : i32
    %mul3A_2 = arith.muli %add3A, %mul3A_1 : i32
    "tpu.region"() ({
      %run_scoped3A = tpu.sem_alloc : memref<!tpu.dma_semaphore, #tpu.memory_space<semaphore_mem>>
      %dma_start3A_225 = arith.constant 0 : i32
      %dma_start3A_226 = tpu.memref_slice %arg2[%mul3A_2, %dma_start3A_225] : memref<6400x128xi32, #tpu.memory_space<hbm>> -> memref<200x128xi32, #tpu.memory_space<hbm>>
      %dma_start3A_227 = arith.constant 0 : i32
      %dma_start3A_228 = tpu.memref_slice %arg2[%mul3A_2, %dma_start3A_227] : memref<6400x128xi32, #tpu.memory_space<hbm>> -> memref<200x128xi32, #tpu.memory_space<hbm>>
      tpu.enqueue_dma source(%dma_start3A_228 : memref<200x128xi32, #tpu.memory_space<hbm>>) target(%arg5 : memref<200x128xi32, #tpu.memory_space<vmem>>) target_semaphore(%run_scoped3A : memref<!tpu.dma_semaphore, #tpu.memory_space<semaphore_mem>>)
      %dma_wait3A_229 = arith.constant 0 : i32
      %dma_wait3A_230 = tpu.memref_slice %arg2[%mul3A_2, %dma_wait3A_229] : memref<6400x128xi32, #tpu.memory_space<hbm>> -> memref<200x128xi32, #tpu.memory_space<hbm>>
      %dma_wait3A_231 = arith.constant 0 : i32
      %dma_wait3A_232 = tpu.memref_slice %arg2[%mul3A_2, %dma_wait3A_231] : memref<6400x128xi32, #tpu.memory_space<hbm>> -> memref<200x128xi32, #tpu.memory_space<hbm>>
      tpu.wait_dma2 semaphore(%run_scoped3A : memref<!tpu.dma_semaphore, #tpu.memory_space<semaphore_mem>>) src(%dma_wait3A_232 : memref<200x128xi32, #tpu.memory_space<hbm>>) dst(%arg5 : memref<200x128xi32, #tpu.memory_space<vmem>>)
      tpu.yield
    }) : () -> ()
    %dma_start3A = arith.constant 0 : i32
    %dma_start3A_3 = arith.constant 0 : i32
    %dma_start3A_4 = arith.constant 0 : i32
    %dma_start3A_5 = arith.constant 0 : i32
    %dma_start3A_6 = tpu.memref_slice %arg6[%dma_start3A_3, %dma_start3A_4, %dma_start3A_5] : memref<8x128x64xf32, #tpu.memory_space<vmem>> -> memref<1x128x64xf32, #tpu.memory_space<vmem>>
    %dma_start3A_7 = tpu.memref_squeeze %dma_start3A_6 : memref<1x128x64xf32, #tpu.memory_space<vmem>> -> memref<128x64xf32, #tpu.memory_space<vmem>>
    %dma_start3A_8 = arith.constant 0 : i32
    %dma_start3A_9 = tpu.memref_slice %arg5[%dma_start3A, %dma_start3A_8] : memref<200x128xi32, #tpu.memory_space<vmem>> -> memref<1x128xi32, #tpu.memory_space<vmem>>
    %dma_start3A_10 = tpu.memref_squeeze %dma_start3A_9 : memref<1x128xi32, #tpu.memory_space<vmem>> -> memref<128xi32, #tpu.memory_space<vmem>>
    %dma_start3A_11 = arith.constant 0 : i32
    %dma_start3A_12 = arith.constant 0 : i32
    %dma_start3A_13 = tpu.memref_slice %arg3[%dma_start3A_11, %dma_start3A_12] : memref<1000000x64xf32, #tpu.memory_space<hbm>> -> memref<1000000x64xf32, #tpu.memory_space<hbm>>
    tpu.enqueue_indirect_dma source(%dma_start3A_13 : memref<1000000x64xf32, #tpu.memory_space<hbm>>) target(%dma_start3A_7 : memref<128x64xf32, #tpu.memory_space<vmem>>) offsets(%dma_start3A_10 : memref<128xi32, #tpu.memory_space<vmem>>) semaphore(%arg7 : memref<!tpu.dma_semaphore, #tpu.memory_space<semaphore_mem>>)
    %dma_start3A_14 = arith.constant 1 : i32
    %dma_start3A_15 = arith.constant 1 : i32
    %dma_start3A_16 = arith.constant 0 : i32
    %dma_start3A_17 = arith.constant 0 : i32
    %dma_start3A_18 = tpu.memref_slice %arg6[%dma_start3A_15, %dma_start3A_16, %dma_start3A_17] : memref<8x128x64xf32, #tpu.memory_space<vmem>> -> memref<1x128x64xf32, #tpu.memory_space<vmem>>
    %dma_start3A_19 = tpu.memref_squeeze %dma_start3A_18 : memref<1x128x64xf32, #tpu.memory_space<vmem>> -> memref<128x64xf32, #tpu.memory_space<vmem>>
    %dma_start3A_20 = arith.constant 0 : i32
    %dma_start3A_21 = tpu.memref_slice %arg5[%dma_start3A_14, %dma_start3A_20] : memref<200x128xi32, #tpu.memory_space<vmem>> -> memref<1x128xi32, #tpu.memory_space<vmem>>
    %dma_start3A_22 = tpu.memref_squeeze %dma_start3A_21 : memref<1x128xi32, #tpu.memory_space<vmem>> -> memref<128xi32, #tpu.memory_space<vmem>>
    %dma_start3A_23 = arith.constant 0 : i32
    %dma_start3A_24 = arith.constant 0 : i32
    %dma_start3A_25 = tpu.memref_slice %arg3[%dma_start3A_23, %dma_start3A_24] : memref<1000000x64xf32, #tpu.memory_space<hbm>> -> memref<1000000x64xf32, #tpu.memory_space<hbm>>
    tpu.enqueue_indirect_dma source(%dma_start3A_25 : memref<1000000x64xf32, #tpu.memory_space<hbm>>) target(%dma_start3A_19 : memref<128x64xf32, #tpu.memory_space<vmem>>) offsets(%dma_start3A_22 : memref<128xi32, #tpu.memory_space<vmem>>) semaphore(%arg8 : memref<!tpu.dma_semaphore, #tpu.memory_space<semaphore_mem>>)
    %dma_start3A_26 = arith.constant 2 : i32
    %dma_start3A_27 = arith.constant 2 : i32
    %dma_start3A_28 = arith.constant 0 : i32
    %dma_start3A_29 = arith.constant 0 : i32
    %dma_start3A_30 = tpu.memref_slice %arg6[%dma_start3A_27, %dma_start3A_28, %dma_start3A_29] : memref<8x128x64xf32, #tpu.memory_space<vmem>> -> memref<1x128x64xf32, #tpu.memory_space<vmem>>
    %dma_start3A_31 = tpu.memref_squeeze %dma_start3A_30 : memref<1x128x64xf32, #tpu.memory_space<vmem>> -> memref<128x64xf32, #tpu.memory_space<vmem>>
    %dma_start3A_32 = arith.constant 0 : i32
    %dma_start3A_33 = tpu.memref_slice %arg5[%dma_start3A_26, %dma_start3A_32] : memref<200x128xi32, #tpu.memory_space<vmem>> -> memref<1x128xi32, #tpu.memory_space<vmem>>
    %dma_start3A_34 = tpu.memref_squeeze %dma_start3A_33 : memref<1x128xi32, #tpu.memory_space<vmem>> -> memref<128xi32, #tpu.memory_space<vmem>>
    %dma_start3A_35 = arith.constant 0 : i32
    %dma_start3A_36 = arith.constant 0 : i32
    %dma_start3A_37 = tpu.memref_slice %arg3[%dma_start3A_35, %dma_start3A_36] : memref<1000000x64xf32, #tpu.memory_space<hbm>> -> memref<1000000x64xf32, #tpu.memory_space<hbm>>
    tpu.enqueue_indirect_dma source(%dma_start3A_37 : memref<1000000x64xf32, #tpu.memory_space<hbm>>) target(%dma_start3A_31 : memref<128x64xf32, #tpu.memory_space<vmem>>) offsets(%dma_start3A_34 : memref<128xi32, #tpu.memory_space<vmem>>) semaphore(%arg9 : memref<!tpu.dma_semaphore, #tpu.memory_space<semaphore_mem>>)
    %dma_start3A_38 = arith.constant 3 : i32
    %dma_start3A_39 = arith.constant 3 : i32
    %dma_start3A_40 = arith.constant 0 : i32
    %dma_start3A_41 = arith.constant 0 : i32
    %dma_start3A_42 = tpu.memref_slice %arg6[%dma_start3A_39, %dma_start3A_40, %dma_start3A_41] : memref<8x128x64xf32, #tpu.memory_space<vmem>> -> memref<1x128x64xf32, #tpu.memory_space<vmem>>
    %dma_start3A_43 = tpu.memref_squeeze %dma_start3A_42 : memref<1x128x64xf32, #tpu.memory_space<vmem>> -> memref<128x64xf32, #tpu.memory_space<vmem>>
    %dma_start3A_44 = arith.constant 0 : i32
    %dma_start3A_45 = tpu.memref_slice %arg5[%dma_start3A_38, %dma_start3A_44] : memref<200x128xi32, #tpu.memory_space<vmem>> -> memref<1x128xi32, #tpu.memory_space<vmem>>
    %dma_start3A_46 = tpu.memref_squeeze %dma_start3A_45 : memref<1x128xi32, #tpu.memory_space<vmem>> -> memref<128xi32, #tpu.memory_space<vmem>>
    %dma_start3A_47 = arith.constant 0 : i32
    %dma_start3A_48 = arith.constant 0 : i32
    %dma_start3A_49 = tpu.memref_slice %arg3[%dma_start3A_47, %dma_start3A_48] : memref<1000000x64xf32, #tpu.memory_space<hbm>> -> memref<1000000x64xf32, #tpu.memory_space<hbm>>
    tpu.enqueue_indirect_dma source(%dma_start3A_49 : memref<1000000x64xf32, #tpu.memory_space<hbm>>) target(%dma_start3A_43 : memref<128x64xf32, #tpu.memory_space<vmem>>) offsets(%dma_start3A_46 : memref<128xi32, #tpu.memory_space<vmem>>) semaphore(%arg10 : memref<!tpu.dma_semaphore, #tpu.memory_space<semaphore_mem>>)
    %dma_start3A_50 = arith.constant 4 : i32
    %dma_start3A_51 = arith.constant 4 : i32
    %dma_start3A_52 = arith.constant 0 : i32
    %dma_start3A_53 = arith.constant 0 : i32
    %dma_start3A_54 = tpu.memref_slice %arg6[%dma_start3A_51, %dma_start3A_52, %dma_start3A_53] : memref<8x128x64xf32, #tpu.memory_space<vmem>> -> memref<1x128x64xf32, #tpu.memory_space<vmem>>
    %dma_start3A_55 = tpu.memref_squeeze %dma_start3A_54 : memref<1x128x64xf32, #tpu.memory_space<vmem>> -> memref<128x64xf32, #tpu.memory_space<vmem>>
    %dma_start3A_56 = arith.constant 0 : i32
    %dma_start3A_57 = tpu.memref_slice %arg5[%dma_start3A_50, %dma_start3A_56] : memref<200x128xi32, #tpu.memory_space<vmem>> -> memref<1x128xi32, #tpu.memory_space<vmem>>
    %dma_start3A_58 = tpu.memref_squeeze %dma_start3A_57 : memref<1x128xi32, #tpu.memory_space<vmem>> -> memref<128xi32, #tpu.memory_space<vmem>>
    %dma_start3A_59 = arith.constant 0 : i32
    %dma_start3A_60 = arith.constant 0 : i32
    %dma_start3A_61 = tpu.memref_slice %arg3[%dma_start3A_59, %dma_start3A_60] : memref<1000000x64xf32, #tpu.memory_space<hbm>> -> memref<1000000x64xf32, #tpu.memory_space<hbm>>
    tpu.enqueue_indirect_dma source(%dma_start3A_61 : memref<1000000x64xf32, #tpu.memory_space<hbm>>) target(%dma_start3A_55 : memref<128x64xf32, #tpu.memory_space<vmem>>) offsets(%dma_start3A_58 : memref<128xi32, #tpu.memory_space<vmem>>) semaphore(%arg11 : memref<!tpu.dma_semaphore, #tpu.memory_space<semaphore_mem>>)
    %dma_start3A_62 = arith.constant 5 : i32
    %dma_start3A_63 = arith.constant 5 : i32
    %dma_start3A_64 = arith.constant 0 : i32
    %dma_start3A_65 = arith.constant 0 : i32
    %dma_start3A_66 = tpu.memref_slice %arg6[%dma_start3A_63, %dma_start3A_64, %dma_start3A_65] : memref<8x128x64xf32, #tpu.memory_space<vmem>> -> memref<1x128x64xf32, #tpu.memory_space<vmem>>
    %dma_start3A_67 = tpu.memref_squeeze %dma_start3A_66 : memref<1x128x64xf32, #tpu.memory_space<vmem>> -> memref<128x64xf32, #tpu.memory_space<vmem>>
    %dma_start3A_68 = arith.constant 0 : i32
    %dma_start3A_69 = tpu.memref_slice %arg5[%dma_start3A_62, %dma_start3A_68] : memref<200x128xi32, #tpu.memory_space<vmem>> -> memref<1x128xi32, #tpu.memory_space<vmem>>
    %dma_start3A_70 = tpu.memref_squeeze %dma_start3A_69 : memref<1x128xi32, #tpu.memory_space<vmem>> -> memref<128xi32, #tpu.memory_space<vmem>>
    %dma_start3A_71 = arith.constant 0 : i32
    %dma_start3A_72 = arith.constant 0 : i32
    %dma_start3A_73 = tpu.memref_slice %arg3[%dma_start3A_71, %dma_start3A_72] : memref<1000000x64xf32, #tpu.memory_space<hbm>> -> memref<1000000x64xf32, #tpu.memory_space<hbm>>
    tpu.enqueue_indirect_dma source(%dma_start3A_73 : memref<1000000x64xf32, #tpu.memory_space<hbm>>) target(%dma_start3A_67 : memref<128x64xf32, #tpu.memory_space<vmem>>) offsets(%dma_start3A_70 : memref<128xi32, #tpu.memory_space<vmem>>) semaphore(%arg12 : memref<!tpu.dma_semaphore, #tpu.memory_space<semaphore_mem>>)
    %dma_start3A_74 = arith.constant 6 : i32
    %dma_start3A_75 = arith.constant 6 : i32
    %dma_start3A_76 = arith.constant 0 : i32
    %dma_start3A_77 = arith.constant 0 : i32
    %dma_start3A_78 = tpu.memref_slice %arg6[%dma_start3A_75, %dma_start3A_76, %dma_start3A_77] : memref<8x128x64xf32, #tpu.memory_space<vmem>> -> memref<1x128x64xf32, #tpu.memory_space<vmem>>
    %dma_start3A_79 = tpu.memref_squeeze %dma_start3A_78 : memref<1x128x64xf32, #tpu.memory_space<vmem>> -> memref<128x64xf32, #tpu.memory_space<vmem>>
    %dma_start3A_80 = arith.constant 0 : i32
    %dma_start3A_81 = tpu.memref_slice %arg5[%dma_start3A_74, %dma_start3A_80] : memref<200x128xi32, #tpu.memory_space<vmem>> -> memref<1x128xi32, #tpu.memory_space<vmem>>
    %dma_start3A_82 = tpu.memref_squeeze %dma_start3A_81 : memref<1x128xi32, #tpu.memory_space<vmem>> -> memref<128xi32, #tpu.memory_space<vmem>>
    %dma_start3A_83 = arith.constant 0 : i32
    %dma_start3A_84 = arith.constant 0 : i32
    %dma_start3A_85 = tpu.memref_slice %arg3[%dma_start3A_83, %dma_start3A_84] : memref<1000000x64xf32, #tpu.memory_space<hbm>> -> memref<1000000x64xf32, #tpu.memory_space<hbm>>
    tpu.enqueue_indirect_dma source(%dma_start3A_85 : memref<1000000x64xf32, #tpu.memory_space<hbm>>) target(%dma_start3A_79 : memref<128x64xf32, #tpu.memory_space<vmem>>) offsets(%dma_start3A_82 : memref<128xi32, #tpu.memory_space<vmem>>) semaphore(%arg13 : memref<!tpu.dma_semaphore, #tpu.memory_space<semaphore_mem>>)
    %scan3A = arith.constant 0 : i32
    %scan3A_86 = arith.constant 25 : i32
    %scan3A_87 = arith.addi %scan3A, %scan3A_86 : i32
    %scan3A_88 = arith.constant 1 : i32
    scf.for %scan3A_225 = %scan3A to %scan3A_87 step %scan3A_88  : i32 {
      %mul3A_226 = arith.constant 8 : i32
      %mul3A_227 = arith.muli %scan3A_225, %mul3A_226 : i32
      %add3A_228 = arith.constant 0 : i32
      %add3A_229 = arith.addi %mul3A_227, %add3A_228 : i32
      %add3A_230 = arith.constant 8 : i32
      %add3A_231 = arith.addi %add3A_229, %add3A_230 : i32
      %sub3A = arith.constant 1 : i32
      %sub3A_232 = arith.subi %add3A_231, %sub3A : i32
      %lt3A = arith.constant 200 : i32
      %lt3A_233 = arith.cmpi slt, %sub3A_232, %lt3A : i32
      %convert_element_type3A = arith.extui %lt3A_233 : i1 to i32
      %cond3A = arith.constant 0 : i32
      %cond3A_234 = arith.cmpi ne, %convert_element_type3A, %cond3A : i32
      scf.if %cond3A_234 {
        %ge3A = arith.constant 1 : i32
        %ge3A_566 = arith.cmpi sge, %add3A_229, %ge3A : i32
        %convert_element_type3A_567 = arith.extui %ge3A_566 : i1 to i32
        %cond3A_568 = arith.constant 0 : i32
        %cond3A_569 = arith.cmpi ne, %convert_element_type3A_567, %cond3A_568 : i32
        scf.if %cond3A_569 {
          %dma_wait3A_581 = arith.constant 7 : i32
          %dma_wait3A_582 = arith.constant 0 : i32
          %dma_wait3A_583 = arith.constant 0 : i32
          %dma_wait3A_584 = tpu.memref_slice %arg6[%dma_wait3A_581, %dma_wait3A_582, %dma_wait3A_583] : memref<8x128x64xf32, #tpu.memory_space<vmem>> -> memref<1x128x64xf32, #tpu.memory_space<vmem>>
          %dma_wait3A_585 = tpu.memref_squeeze %dma_wait3A_584 : memref<1x128x64xf32, #tpu.memory_space<vmem>> -> memref<128x64xf32, #tpu.memory_space<vmem>>
          %dma_wait3A_586 = arith.constant 0 : i32
          %dma_wait3A_587 = arith.constant 0 : i32
          %dma_wait3A_588 = tpu.memref_slice %arg4[%mul3A_2, %dma_wait3A_586, %dma_wait3A_587] : memref<6400x128x64xf32, #tpu.memory_space<hbm>> -> memref<1x128x64xf32, #tpu.memory_space<hbm>>
          %dma_wait3A_589 = tpu.memref_squeeze %dma_wait3A_588 : memref<1x128x64xf32, #tpu.memory_space<hbm>> -> memref<128x64xf32, #tpu.memory_space<hbm>>
          %dma_wait3A_590 = arith.constant 0 : i32
          %dma_wait3A_591 = arith.constant 0 : i32
          %dma_wait3A_592 = tpu.memref_slice %arg4[%mul3A_2, %dma_wait3A_590, %dma_wait3A_591] : memref<6400x128x64xf32, #tpu.memory_space<hbm>> -> memref<1x128x64xf32, #tpu.memory_space<hbm>>
          %dma_wait3A_593 = tpu.memref_squeeze %dma_wait3A_592 : memref<1x128x64xf32, #tpu.memory_space<hbm>> -> memref<128x64xf32, #tpu.memory_space<hbm>>
          %dma_wait3A_594 = arith.constant 0 : i32
          %dma_wait3A_595 = arith.constant 0 : i32
          %dma_wait3A_596 = tpu.memref_slice %arg6[%dma_wait3A_581, %dma_wait3A_594, %dma_wait3A_595] : memref<8x128x64xf32, #tpu.memory_space<vmem>> -> memref<1x128x64xf32, #tpu.memory_space<vmem>>
          %dma_wait3A_597 = tpu.memref_squeeze %dma_wait3A_596 : memref<1x128x64xf32, #tpu.memory_space<vmem>> -> memref<128x64xf32, #tpu.memory_space<vmem>>
          tpu.wait_dma2 semaphore(%arg22 : memref<!tpu.dma_semaphore, #tpu.memory_space<semaphore_mem>>) src(%dma_wait3A_597 : memref<128x64xf32, #tpu.memory_space<vmem>>) dst(%dma_wait3A_593 : memref<128x64xf32, #tpu.memory_space<hbm>>)
        } else {
        }
        %dma_start3A_570 = arith.constant 7 : i32
        %dma_start3A_571 = arith.constant 0 : i32
        %dma_start3A_572 = arith.constant 0 : i32
        %dma_start3A_573 = tpu.memref_slice %arg6[%dma_start3A_570, %dma_start3A_571, %dma_start3A_572] : memref<8x128x64xf32, #tpu.memory_space<vmem>> -> memref<1x128x64xf32, #tpu.memory_space<vmem>>
        %dma_start3A_574 = tpu.memref_squeeze %dma_start3A_573 : memref<1x128x64xf32, #tpu.memory_space<vmem>> -> memref<128x64xf32, #tpu.memory_space<vmem>>
        %dma_start3A_575 = arith.constant 0 : i32
        %dma_start3A_576 = tpu.memref_slice %arg5[%sub3A_232, %dma_start3A_575] : memref<200x128xi32, #tpu.memory_space<vmem>> -> memref<1x128xi32, #tpu.memory_space<vmem>>
        %dma_start3A_577 = tpu.memref_squeeze %dma_start3A_576 : memref<1x128xi32, #tpu.memory_space<vmem>> -> memref<128xi32, #tpu.memory_space<vmem>>
        %dma_start3A_578 = arith.constant 0 : i32
        %dma_start3A_579 = arith.constant 0 : i32
        %dma_start3A_580 = tpu.memref_slice %arg3[%dma_start3A_578, %dma_start3A_579] : memref<1000000x64xf32, #tpu.memory_space<hbm>> -> memref<1000000x64xf32, #tpu.memory_space<hbm>>
        tpu.enqueue_indirect_dma source(%dma_start3A_580 : memref<1000000x64xf32, #tpu.memory_space<hbm>>) target(%dma_start3A_574 : memref<128x64xf32, #tpu.memory_space<vmem>>) offsets(%dma_start3A_577 : memref<128xi32, #tpu.memory_space<vmem>>) semaphore(%arg14 : memref<!tpu.dma_semaphore, #tpu.memory_space<semaphore_mem>>)
      } else {
      }
      %dma_wait3A_235 = arith.constant 0 : i32
      %dma_wait3A_236 = arith.constant 0 : i32
      %dma_wait3A_237 = arith.constant 0 : i32
      %dma_wait3A_238 = arith.constant 0 : i32
      %dma_wait3A_239 = tpu.memref_slice %arg6[%dma_wait3A_236, %dma_wait3A_237, %dma_wait3A_238] : memref<8x128x64xf32, #tpu.memory_space<vmem>> -> memref<1x128x64xf32, #tpu.memory_space<vmem>>
      %dma_wait3A_240 = tpu.memref_squeeze %dma_wait3A_239 : memref<1x128x64xf32, #tpu.memory_space<vmem>> -> memref<128x64xf32, #tpu.memory_space<vmem>>
      %dma_wait3A_241 = arith.constant 0 : i32
      %dma_wait3A_242 = tpu.memref_slice %arg5[%dma_wait3A_235, %dma_wait3A_241] : memref<200x128xi32, #tpu.memory_space<vmem>> -> memref<1x128xi32, #tpu.memory_space<vmem>>
      %dma_wait3A_243 = tpu.memref_squeeze %dma_wait3A_242 : memref<1x128xi32, #tpu.memory_space<vmem>> -> memref<128xi32, #tpu.memory_space<vmem>>
      %dma_wait3A_244 = arith.constant 0 : i32
      %dma_wait3A_245 = arith.constant 0 : i32
      %dma_wait3A_246 = tpu.memref_slice %arg3[%dma_wait3A_244, %dma_wait3A_245] : memref<1000000x64xf32, #tpu.memory_space<hbm>> -> memref<1000000x64xf32, #tpu.memory_space<hbm>>
      tpu.wait_indirect_dma semaphore(%arg7 : memref<!tpu.dma_semaphore, #tpu.memory_space<semaphore_mem>>) src(%dma_wait3A_246 : memref<1000000x64xf32, #tpu.memory_space<hbm>>) dst(%dma_wait3A_240 : memref<128x64xf32, #tpu.memory_space<vmem>>)
      %add3A_247 = arith.addi %mul3A_2, %add3A_229 : i32
      %dma_start3A_248 = arith.constant 0 : i32
      %dma_start3A_249 = arith.constant 0 : i32
      %dma_start3A_250 = arith.constant 0 : i32
      %dma_start3A_251 = tpu.memref_slice %arg6[%dma_start3A_248, %dma_start3A_249, %dma_start3A_250] : memref<8x128x64xf32, #tpu.memory_space<vmem>> -> memref<1x128x64xf32, #tpu.memory_space<vmem>>
      %dma_start3A_252 = tpu.memref_squeeze %dma_start3A_251 : memref<1x128x64xf32, #tpu.memory_space<vmem>> -> memref<128x64xf32, #tpu.memory_space<vmem>>
      %dma_start3A_253 = arith.constant 0 : i32
      %dma_start3A_254 = arith.constant 0 : i32
      %dma_start3A_255 = tpu.memref_slice %arg4[%add3A_247, %dma_start3A_253, %dma_start3A_254] : memref<6400x128x64xf32, #tpu.memory_space<hbm>> -> memref<1x128x64xf32, #tpu.memory_space<hbm>>
      %dma_start3A_256 = tpu.memref_squeeze %dma_start3A_255 : memref<1x128x64xf32, #tpu.memory_space<hbm>> -> memref<128x64xf32, #tpu.memory_space<hbm>>
      %dma_start3A_257 = arith.constant 0 : i32
      %dma_start3A_258 = arith.constant 0 : i32
      %dma_start3A_259 = tpu.memref_slice %arg4[%add3A_247, %dma_start3A_257, %dma_start3A_258] : memref<6400x128x64xf32, #tpu.memory_space<hbm>> -> memref<1x128x64xf32, #tpu.memory_space<hbm>>
      %dma_start3A_260 = tpu.memref_squeeze %dma_start3A_259 : memref<1x128x64xf32, #tpu.memory_space<hbm>> -> memref<128x64xf32, #tpu.memory_space<hbm>>
      %dma_start3A_261 = arith.constant 0 : i32
      %dma_start3A_262 = arith.constant 0 : i32
      %dma_start3A_263 = tpu.memref_slice %arg6[%dma_start3A_248, %dma_start3A_261, %dma_start3A_262] : memref<8x128x64xf32, #tpu.memory_space<vmem>> -> memref<1x128x64xf32, #tpu.memory_space<vmem>>
      %dma_start3A_264 = tpu.memref_squeeze %dma_start3A_263 : memref<1x128x64xf32, #tpu.memory_space<vmem>> -> memref<128x64xf32, #tpu.memory_space<vmem>>
      tpu.enqueue_dma source(%dma_start3A_264 : memref<128x64xf32, #tpu.memory_space<vmem>>) target(%dma_start3A_260 : memref<128x64xf32, #tpu.memory_space<hbm>>) target_semaphore(%arg15 : memref<!tpu.dma_semaphore, #tpu.memory_space<semaphore_mem>>)
      %mul3A_265 = arith.constant 8 : i32
      %mul3A_266 = arith.muli %scan3A_225, %mul3A_265 : i32
      %add3A_267 = arith.constant 1 : i32
      %add3A_268 = arith.addi %mul3A_266, %add3A_267 : i32
      %add3A_269 = arith.constant 8 : i32
      %add3A_270 = arith.addi %add3A_268, %add3A_269 : i32
      %sub3A_271 = arith.constant 1 : i32
      %sub3A_272 = arith.subi %add3A_270, %sub3A_271 : i32
      %lt3A_273 = arith.constant 200 : i32
      %lt3A_274 = arith.cmpi slt, %sub3A_272, %lt3A_273 : i32
      %convert_element_type3A_275 = arith.extui %lt3A_274 : i1 to i32
      %cond3A_276 = arith.constant 0 : i32
      %cond3A_277 = arith.cmpi ne, %convert_element_type3A_275, %cond3A_276 : i32
      scf.if %cond3A_277 {
        %ge3A = arith.constant 1 : i32
        %ge3A_566 = arith.cmpi sge, %add3A_268, %ge3A : i32
        %convert_element_type3A_567 = arith.extui %ge3A_566 : i1 to i32
        %cond3A_568 = arith.constant 0 : i32
        %cond3A_569 = arith.cmpi ne, %convert_element_type3A_567, %cond3A_568 : i32
        scf.if %cond3A_569 {
          %dma_wait3A_581 = arith.constant 0 : i32
          %dma_wait3A_582 = arith.constant 0 : i32
          %dma_wait3A_583 = arith.constant 0 : i32
          %dma_wait3A_584 = tpu.memref_slice %arg6[%dma_wait3A_581, %dma_wait3A_582, %dma_wait3A_583] : memref<8x128x64xf32, #tpu.memory_space<vmem>> -> memref<1x128x64xf32, #tpu.memory_space<vmem>>
          %dma_wait3A_585 = tpu.memref_squeeze %dma_wait3A_584 : memref<1x128x64xf32, #tpu.memory_space<vmem>> -> memref<128x64xf32, #tpu.memory_space<vmem>>
          %dma_wait3A_586 = arith.constant 0 : i32
          %dma_wait3A_587 = arith.constant 0 : i32
          %dma_wait3A_588 = tpu.memref_slice %arg4[%mul3A_2, %dma_wait3A_586, %dma_wait3A_587] : memref<6400x128x64xf32, #tpu.memory_space<hbm>> -> memref<1x128x64xf32, #tpu.memory_space<hbm>>
          %dma_wait3A_589 = tpu.memref_squeeze %dma_wait3A_588 : memref<1x128x64xf32, #tpu.memory_space<hbm>> -> memref<128x64xf32, #tpu.memory_space<hbm>>
          %dma_wait3A_590 = arith.constant 0 : i32
          %dma_wait3A_591 = arith.constant 0 : i32
          %dma_wait3A_592 = tpu.memref_slice %arg4[%mul3A_2, %dma_wait3A_590, %dma_wait3A_591] : memref<6400x128x64xf32, #tpu.memory_space<hbm>> -> memref<1x128x64xf32, #tpu.memory_space<hbm>>
          %dma_wait3A_593 = tpu.memref_squeeze %dma_wait3A_592 : memref<1x128x64xf32, #tpu.memory_space<hbm>> -> memref<128x64xf32, #tpu.memory_space<hbm>>
          %dma_wait3A_594 = arith.constant 0 : i32
          %dma_wait3A_595 = arith.constant 0 : i32
          %dma_wait3A_596 = tpu.memref_slice %arg6[%dma_wait3A_581, %dma_wait3A_594, %dma_wait3A_595] : memref<8x128x64xf32, #tpu.memory_space<vmem>> -> memref<1x128x64xf32, #tpu.memory_space<vmem>>
          %dma_wait3A_597 = tpu.memref_squeeze %dma_wait3A_596 : memref<1x128x64xf32, #tpu.memory_space<vmem>> -> memref<128x64xf32, #tpu.memory_space<vmem>>
          tpu.wait_dma2 semaphore(%arg15 : memref<!tpu.dma_semaphore, #tpu.memory_space<semaphore_mem>>) src(%dma_wait3A_597 : memref<128x64xf32, #tpu.memory_space<vmem>>) dst(%dma_wait3A_593 : memref<128x64xf32, #tpu.memory_space<hbm>>)
        } else {
        }
        %dma_start3A_570 = arith.constant 0 : i32
        %dma_start3A_571 = arith.constant 0 : i32
        %dma_start3A_572 = arith.constant 0 : i32
        %dma_start3A_573 = tpu.memref_slice %arg6[%dma_start3A_570, %dma_start3A_571, %dma_start3A_572] : memref<8x128x64xf32, #tpu.memory_space<vmem>> -> memref<1x128x64xf32, #tpu.memory_space<vmem>>
        %dma_start3A_574 = tpu.memref_squeeze %dma_start3A_573 : memref<1x128x64xf32, #tpu.memory_space<vmem>> -> memref<128x64xf32, #tpu.memory_space<vmem>>
        %dma_start3A_575 = arith.constant 0 : i32
        %dma_start3A_576 = tpu.memref_slice %arg5[%sub3A_272, %dma_start3A_575] : memref<200x128xi32, #tpu.memory_space<vmem>> -> memref<1x128xi32, #tpu.memory_space<vmem>>
        %dma_start3A_577 = tpu.memref_squeeze %dma_start3A_576 : memref<1x128xi32, #tpu.memory_space<vmem>> -> memref<128xi32, #tpu.memory_space<vmem>>
        %dma_start3A_578 = arith.constant 0 : i32
        %dma_start3A_579 = arith.constant 0 : i32
        %dma_start3A_580 = tpu.memref_slice %arg3[%dma_start3A_578, %dma_start3A_579] : memref<1000000x64xf32, #tpu.memory_space<hbm>> -> memref<1000000x64xf32, #tpu.memory_space<hbm>>
        tpu.enqueue_indirect_dma source(%dma_start3A_580 : memref<1000000x64xf32, #tpu.memory_space<hbm>>) target(%dma_start3A_574 : memref<128x64xf32, #tpu.memory_space<vmem>>) offsets(%dma_start3A_577 : memref<128xi32, #tpu.memory_space<vmem>>) semaphore(%arg7 : memref<!tpu.dma_semaphore, #tpu.memory_space<semaphore_mem>>)
      } else {
      }
      %dma_wait3A_278 = arith.constant 0 : i32
      %dma_wait3A_279 = arith.constant 1 : i32
      %dma_wait3A_280 = arith.constant 0 : i32
      %dma_wait3A_281 = arith.constant 0 : i32
      %dma_wait3A_282 = tpu.memref_slice %arg6[%dma_wait3A_279, %dma_wait3A_280, %dma_wait3A_281] : memref<8x128x64xf32, #tpu.memory_space<vmem>> -> memref<1x128x64xf32, #tpu.memory_space<vmem>>
      %dma_wait3A_283 = tpu.memref_squeeze %dma_wait3A_282 : memref<1x128x64xf32, #tpu.memory_space<vmem>> -> memref<128x64xf32, #tpu.memory_space<vmem>>
      %dma_wait3A_284 = arith.constant 0 : i32
      %dma_wait3A_285 = tpu.memref_slice %arg5[%dma_wait3A_278, %dma_wait3A_284] : memref<200x128xi32, #tpu.memory_space<vmem>> -> memref<1x128xi32, #tpu.memory_space<vmem>>
      %dma_wait3A_286 = tpu.memref_squeeze %dma_wait3A_285 : memref<1x128xi32, #tpu.memory_space<vmem>> -> memref<128xi32, #tpu.memory_space<vmem>>
      %dma_wait3A_287 = arith.constant 0 : i32
      %dma_wait3A_288 = arith.constant 0 : i32
      %dma_wait3A_289 = tpu.memref_slice %arg3[%dma_wait3A_287, %dma_wait3A_288] : memref<1000000x64xf32, #tpu.memory_space<hbm>> -> memref<1000000x64xf32, #tpu.memory_space<hbm>>
      tpu.wait_indirect_dma semaphore(%arg8 : memref<!tpu.dma_semaphore, #tpu.memory_space<semaphore_mem>>) src(%dma_wait3A_289 : memref<1000000x64xf32, #tpu.memory_space<hbm>>) dst(%dma_wait3A_283 : memref<128x64xf32, #tpu.memory_space<vmem>>)
      %add3A_290 = arith.addi %mul3A_2, %add3A_268 : i32
      %dma_start3A_291 = arith.constant 1 : i32
      %dma_start3A_292 = arith.constant 0 : i32
      %dma_start3A_293 = arith.constant 0 : i32
      %dma_start3A_294 = tpu.memref_slice %arg6[%dma_start3A_291, %dma_start3A_292, %dma_start3A_293] : memref<8x128x64xf32, #tpu.memory_space<vmem>> -> memref<1x128x64xf32, #tpu.memory_space<vmem>>
      %dma_start3A_295 = tpu.memref_squeeze %dma_start3A_294 : memref<1x128x64xf32, #tpu.memory_space<vmem>> -> memref<128x64xf32, #tpu.memory_space<vmem>>
      %dma_start3A_296 = arith.constant 0 : i32
      %dma_start3A_297 = arith.constant 0 : i32
      %dma_start3A_298 = tpu.memref_slice %arg4[%add3A_290, %dma_start3A_296, %dma_start3A_297] : memref<6400x128x64xf32, #tpu.memory_space<hbm>> -> memref<1x128x64xf32, #tpu.memory_space<hbm>>
      %dma_start3A_299 = tpu.memref_squeeze %dma_start3A_298 : memref<1x128x64xf32, #tpu.memory_space<hbm>> -> memref<128x64xf32, #tpu.memory_space<hbm>>
      %dma_start3A_300 = arith.constant 0 : i32
      %dma_start3A_301 = arith.constant 0 : i32
      %dma_start3A_302 = tpu.memref_slice %arg4[%add3A_290, %dma_start3A_300, %dma_start3A_301] : memref<6400x128x64xf32, #tpu.memory_space<hbm>> -> memref<1x128x64xf32, #tpu.memory_space<hbm>>
      %dma_start3A_303 = tpu.memref_squeeze %dma_start3A_302 : memref<1x128x64xf32, #tpu.memory_space<hbm>> -> memref<128x64xf32, #tpu.memory_space<hbm>>
      %dma_start3A_304 = arith.constant 0 : i32
      %dma_start3A_305 = arith.constant 0 : i32
      %dma_start3A_306 = tpu.memref_slice %arg6[%dma_start3A_291, %dma_start3A_304, %dma_start3A_305] : memref<8x128x64xf32, #tpu.memory_space<vmem>> -> memref<1x128x64xf32, #tpu.memory_space<vmem>>
      %dma_start3A_307 = tpu.memref_squeeze %dma_start3A_306 : memref<1x128x64xf32, #tpu.memory_space<vmem>> -> memref<128x64xf32, #tpu.memory_space<vmem>>
      tpu.enqueue_dma source(%dma_start3A_307 : memref<128x64xf32, #tpu.memory_space<vmem>>) target(%dma_start3A_303 : memref<128x64xf32, #tpu.memory_space<hbm>>) target_semaphore(%arg16 : memref<!tpu.dma_semaphore, #tpu.memory_space<semaphore_mem>>)
      %mul3A_308 = arith.constant 8 : i32
      %mul3A_309 = arith.muli %scan3A_225, %mul3A_308 : i32
      %add3A_310 = arith.constant 2 : i32
      %add3A_311 = arith.addi %mul3A_309, %add3A_310 : i32
      %add3A_312 = arith.constant 8 : i32
      %add3A_313 = arith.addi %add3A_311, %add3A_312 : i32
      %sub3A_314 = arith.constant 1 : i32
      %sub3A_315 = arith.subi %add3A_313, %sub3A_314 : i32
      %lt3A_316 = arith.constant 200 : i32
      %lt3A_317 = arith.cmpi slt, %sub3A_315, %lt3A_316 : i32
      %convert_element_type3A_318 = arith.extui %lt3A_317 : i1 to i32
      %cond3A_319 = arith.constant 0 : i32
      %cond3A_320 = arith.cmpi ne, %convert_element_type3A_318, %cond3A_319 : i32
      scf.if %cond3A_320 {
        %ge3A = arith.constant 1 : i32
        %ge3A_566 = arith.cmpi sge, %add3A_311, %ge3A : i32
        %convert_element_type3A_567 = arith.extui %ge3A_566 : i1 to i32
        %cond3A_568 = arith.constant 0 : i32
        %cond3A_569 = arith.cmpi ne, %convert_element_type3A_567, %cond3A_568 : i32
        scf.if %cond3A_569 {
          %dma_wait3A_581 = arith.constant 1 : i32
          %dma_wait3A_582 = arith.constant 0 : i32
          %dma_wait3A_583 = arith.constant 0 : i32
          %dma_wait3A_584 = tpu.memref_slice %arg6[%dma_wait3A_581, %dma_wait3A_582, %dma_wait3A_583] : memref<8x128x64xf32, #tpu.memory_space<vmem>> -> memref<1x128x64xf32, #tpu.memory_space<vmem>>
          %dma_wait3A_585 = tpu.memref_squeeze %dma_wait3A_584 : memref<1x128x64xf32, #tpu.memory_space<vmem>> -> memref<128x64xf32, #tpu.memory_space<vmem>>
          %dma_wait3A_586 = arith.constant 0 : i32
          %dma_wait3A_587 = arith.constant 0 : i32
          %dma_wait3A_588 = tpu.memref_slice %arg4[%mul3A_2, %dma_wait3A_586, %dma_wait3A_587] : memref<6400x128x64xf32, #tpu.memory_space<hbm>> -> memref<1x128x64xf32, #tpu.memory_space<hbm>>
          %dma_wait3A_589 = tpu.memref_squeeze %dma_wait3A_588 : memref<1x128x64xf32, #tpu.memory_space<hbm>> -> memref<128x64xf32, #tpu.memory_space<hbm>>
          %dma_wait3A_590 = arith.constant 0 : i32
          %dma_wait3A_591 = arith.constant 0 : i32
          %dma_wait3A_592 = tpu.memref_slice %arg4[%mul3A_2, %dma_wait3A_590, %dma_wait3A_591] : memref<6400x128x64xf32, #tpu.memory_space<hbm>> -> memref<1x128x64xf32, #tpu.memory_space<hbm>>
          %dma_wait3A_593 = tpu.memref_squeeze %dma_wait3A_592 : memref<1x128x64xf32, #tpu.memory_space<hbm>> -> memref<128x64xf32, #tpu.memory_space<hbm>>
          %dma_wait3A_594 = arith.constant 0 : i32
          %dma_wait3A_595 = arith.constant 0 : i32
          %dma_wait3A_596 = tpu.memref_slice %arg6[%dma_wait3A_581, %dma_wait3A_594, %dma_wait3A_595] : memref<8x128x64xf32, #tpu.memory_space<vmem>> -> memref<1x128x64xf32, #tpu.memory_space<vmem>>
          %dma_wait3A_597 = tpu.memref_squeeze %dma_wait3A_596 : memref<1x128x64xf32, #tpu.memory_space<vmem>> -> memref<128x64xf32, #tpu.memory_space<vmem>>
          tpu.wait_dma2 semaphore(%arg16 : memref<!tpu.dma_semaphore, #tpu.memory_space<semaphore_mem>>) src(%dma_wait3A_597 : memref<128x64xf32, #tpu.memory_space<vmem>>) dst(%dma_wait3A_593 : memref<128x64xf32, #tpu.memory_space<hbm>>)
        } else {
        }
        %dma_start3A_570 = arith.constant 1 : i32
        %dma_start3A_571 = arith.constant 0 : i32
        %dma_start3A_572 = arith.constant 0 : i32
        %dma_start3A_573 = tpu.memref_slice %arg6[%dma_start3A_570, %dma_start3A_571, %dma_start3A_572] : memref<8x128x64xf32, #tpu.memory_space<vmem>> -> memref<1x128x64xf32, #tpu.memory_space<vmem>>
        %dma_start3A_574 = tpu.memref_squeeze %dma_start3A_573 : memref<1x128x64xf32, #tpu.memory_space<vmem>> -> memref<128x64xf32, #tpu.memory_space<vmem>>
        %dma_start3A_575 = arith.constant 0 : i32
        %dma_start3A_576 = tpu.memref_slice %arg5[%sub3A_315, %dma_start3A_575] : memref<200x128xi32, #tpu.memory_space<vmem>> -> memref<1x128xi32, #tpu.memory_space<vmem>>
        %dma_start3A_577 = tpu.memref_squeeze %dma_start3A_576 : memref<1x128xi32, #tpu.memory_space<vmem>> -> memref<128xi32, #tpu.memory_space<vmem>>
        %dma_start3A_578 = arith.constant 0 : i32
        %dma_start3A_579 = arith.constant 0 : i32
        %dma_start3A_580 = tpu.memref_slice %arg3[%dma_start3A_578, %dma_start3A_579] : memref<1000000x64xf32, #tpu.memory_space<hbm>> -> memref<1000000x64xf32, #tpu.memory_space<hbm>>
        tpu.enqueue_indirect_dma source(%dma_start3A_580 : memref<1000000x64xf32, #tpu.memory_space<hbm>>) target(%dma_start3A_574 : memref<128x64xf32, #tpu.memory_space<vmem>>) offsets(%dma_start3A_577 : memref<128xi32, #tpu.memory_space<vmem>>) semaphore(%arg8 : memref<!tpu.dma_semaphore, #tpu.memory_space<semaphore_mem>>)
      } else {
      }
      %dma_wait3A_321 = arith.constant 0 : i32
      %dma_wait3A_322 = arith.constant 2 : i32
      %dma_wait3A_323 = arith.constant 0 : i32
      %dma_wait3A_324 = arith.constant 0 : i32
      %dma_wait3A_325 = tpu.memref_slice %arg6[%dma_wait3A_322, %dma_wait3A_323, %dma_wait3A_324] : memref<8x128x64xf32, #tpu.memory_space<vmem>> -> memref<1x128x64xf32, #tpu.memory_space<vmem>>
      %dma_wait3A_326 = tpu.memref_squeeze %dma_wait3A_325 : memref<1x128x64xf32, #tpu.memory_space<vmem>> -> memref<128x64xf32, #tpu.memory_space<vmem>>
      %dma_wait3A_327 = arith.constant 0 : i32
      %dma_wait3A_328 = tpu.memref_slice %arg5[%dma_wait3A_321, %dma_wait3A_327] : memref<200x128xi32, #tpu.memory_space<vmem>> -> memref<1x128xi32, #tpu.memory_space<vmem>>
      %dma_wait3A_329 = tpu.memref_squeeze %dma_wait3A_328 : memref<1x128xi32, #tpu.memory_space<vmem>> -> memref<128xi32, #tpu.memory_space<vmem>>
      %dma_wait3A_330 = arith.constant 0 : i32
      %dma_wait3A_331 = arith.constant 0 : i32
      %dma_wait3A_332 = tpu.memref_slice %arg3[%dma_wait3A_330, %dma_wait3A_331] : memref<1000000x64xf32, #tpu.memory_space<hbm>> -> memref<1000000x64xf32, #tpu.memory_space<hbm>>
      tpu.wait_indirect_dma semaphore(%arg9 : memref<!tpu.dma_semaphore, #tpu.memory_space<semaphore_mem>>) src(%dma_wait3A_332 : memref<1000000x64xf32, #tpu.memory_space<hbm>>) dst(%dma_wait3A_326 : memref<128x64xf32, #tpu.memory_space<vmem>>)
      %add3A_333 = arith.addi %mul3A_2, %add3A_311 : i32
      %dma_start3A_334 = arith.constant 2 : i32
      %dma_start3A_335 = arith.constant 0 : i32
      %dma_start3A_336 = arith.constant 0 : i32
      %dma_start3A_337 = tpu.memref_slice %arg6[%dma_start3A_334, %dma_start3A_335, %dma_start3A_336] : memref<8x128x64xf32, #tpu.memory_space<vmem>> -> memref<1x128x64xf32, #tpu.memory_space<vmem>>
      %dma_start3A_338 = tpu.memref_squeeze %dma_start3A_337 : memref<1x128x64xf32, #tpu.memory_space<vmem>> -> memref<128x64xf32, #tpu.memory_space<vmem>>
      %dma_start3A_339 = arith.constant 0 : i32
      %dma_start3A_340 = arith.constant 0 : i32
      %dma_start3A_341 = tpu.memref_slice %arg4[%add3A_333, %dma_start3A_339, %dma_start3A_340] : memref<6400x128x64xf32, #tpu.memory_space<hbm>> -> memref<1x128x64xf32, #tpu.memory_space<hbm>>
      %dma_start3A_342 = tpu.memref_squeeze %dma_start3A_341 : memref<1x128x64xf32, #tpu.memory_space<hbm>> -> memref<128x64xf32, #tpu.memory_space<hbm>>
      %dma_start3A_343 = arith.constant 0 : i32
      %dma_start3A_344 = arith.constant 0 : i32
      %dma_start3A_345 = tpu.memref_slice %arg4[%add3A_333, %dma_start3A_343, %dma_start3A_344] : memref<6400x128x64xf32, #tpu.memory_space<hbm>> -> memref<1x128x64xf32, #tpu.memory_space<hbm>>
      %dma_start3A_346 = tpu.memref_squeeze %dma_start3A_345 : memref<1x128x64xf32, #tpu.memory_space<hbm>> -> memref<128x64xf32, #tpu.memory_space<hbm>>
      %dma_start3A_347 = arith.constant 0 : i32
      %dma_start3A_348 = arith.constant 0 : i32
      %dma_start3A_349 = tpu.memref_slice %arg6[%dma_start3A_334, %dma_start3A_347, %dma_start3A_348] : memref<8x128x64xf32, #tpu.memory_space<vmem>> -> memref<1x128x64xf32, #tpu.memory_space<vmem>>
      %dma_start3A_350 = tpu.memref_squeeze %dma_start3A_349 : memref<1x128x64xf32, #tpu.memory_space<vmem>> -> memref<128x64xf32, #tpu.memory_space<vmem>>
      tpu.enqueue_dma source(%dma_start3A_350 : memref<128x64xf32, #tpu.memory_space<vmem>>) target(%dma_start3A_346 : memref<128x64xf32, #tpu.memory_space<hbm>>) target_semaphore(%arg17 : memref<!tpu.dma_semaphore, #tpu.memory_space<semaphore_mem>>)
      %mul3A_351 = arith.constant 8 : i32
      %mul3A_352 = arith.muli %scan3A_225, %mul3A_351 : i32
      %add3A_353 = arith.constant 3 : i32
      %add3A_354 = arith.addi %mul3A_352, %add3A_353 : i32
      %add3A_355 = arith.constant 8 : i32
      %add3A_356 = arith.addi %add3A_354, %add3A_355 : i32
      %sub3A_357 = arith.constant 1 : i32
      %sub3A_358 = arith.subi %add3A_356, %sub3A_357 : i32
      %lt3A_359 = arith.constant 200 : i32
      %lt3A_360 = arith.cmpi slt, %sub3A_358, %lt3A_359 : i32
      %convert_element_type3A_361 = arith.extui %lt3A_360 : i1 to i32
      %cond3A_362 = arith.constant 0 : i32
      %cond3A_363 = arith.cmpi ne, %convert_element_type3A_361, %cond3A_362 : i32
      scf.if %cond3A_363 {
        %ge3A = arith.constant 1 : i32
        %ge3A_566 = arith.cmpi sge, %add3A_354, %ge3A : i32
        %convert_element_type3A_567 = arith.extui %ge3A_566 : i1 to i32
        %cond3A_568 = arith.constant 0 : i32
        %cond3A_569 = arith.cmpi ne, %convert_element_type3A_567, %cond3A_568 : i32
        scf.if %cond3A_569 {
          %dma_wait3A_581 = arith.constant 2 : i32
          %dma_wait3A_582 = arith.constant 0 : i32
          %dma_wait3A_583 = arith.constant 0 : i32
          %dma_wait3A_584 = tpu.memref_slice %arg6[%dma_wait3A_581, %dma_wait3A_582, %dma_wait3A_583] : memref<8x128x64xf32, #tpu.memory_space<vmem>> -> memref<1x128x64xf32, #tpu.memory_space<vmem>>
          %dma_wait3A_585 = tpu.memref_squeeze %dma_wait3A_584 : memref<1x128x64xf32, #tpu.memory_space<vmem>> -> memref<128x64xf32, #tpu.memory_space<vmem>>
          %dma_wait3A_586 = arith.constant 0 : i32
          %dma_wait3A_587 = arith.constant 0 : i32
          %dma_wait3A_588 = tpu.memref_slice %arg4[%mul3A_2, %dma_wait3A_586, %dma_wait3A_587] : memref<6400x128x64xf32, #tpu.memory_space<hbm>> -> memref<1x128x64xf32, #tpu.memory_space<hbm>>
          %dma_wait3A_589 = tpu.memref_squeeze %dma_wait3A_588 : memref<1x128x64xf32, #tpu.memory_space<hbm>> -> memref<128x64xf32, #tpu.memory_space<hbm>>
          %dma_wait3A_590 = arith.constant 0 : i32
          %dma_wait3A_591 = arith.constant 0 : i32
          %dma_wait3A_592 = tpu.memref_slice %arg4[%mul3A_2, %dma_wait3A_590, %dma_wait3A_591] : memref<6400x128x64xf32, #tpu.memory_space<hbm>> -> memref<1x128x64xf32, #tpu.memory_space<hbm>>
          %dma_wait3A_593 = tpu.memref_squeeze %dma_wait3A_592 : memref<1x128x64xf32, #tpu.memory_space<hbm>> -> memref<128x64xf32, #tpu.memory_space<hbm>>
          %dma_wait3A_594 = arith.constant 0 : i32
          %dma_wait3A_595 = arith.constant 0 : i32
          %dma_wait3A_596 = tpu.memref_slice %arg6[%dma_wait3A_581, %dma_wait3A_594, %dma_wait3A_595] : memref<8x128x64xf32, #tpu.memory_space<vmem>> -> memref<1x128x64xf32, #tpu.memory_space<vmem>>
          %dma_wait3A_597 = tpu.memref_squeeze %dma_wait3A_596 : memref<1x128x64xf32, #tpu.memory_space<vmem>> -> memref<128x64xf32, #tpu.memory_space<vmem>>
          tpu.wait_dma2 semaphore(%arg17 : memref<!tpu.dma_semaphore, #tpu.memory_space<semaphore_mem>>) src(%dma_wait3A_597 : memref<128x64xf32, #tpu.memory_space<vmem>>) dst(%dma_wait3A_593 : memref<128x64xf32, #tpu.memory_space<hbm>>)
        } else {
        }
        %dma_start3A_570 = arith.constant 2 : i32
        %dma_start3A_571 = arith.constant 0 : i32
        %dma_start3A_572 = arith.constant 0 : i32
        %dma_start3A_573 = tpu.memref_slice %arg6[%dma_start3A_570, %dma_start3A_571, %dma_start3A_572] : memref<8x128x64xf32, #tpu.memory_space<vmem>> -> memref<1x128x64xf32, #tpu.memory_space<vmem>>
        %dma_start3A_574 = tpu.memref_squeeze %dma_start3A_573 : memref<1x128x64xf32, #tpu.memory_space<vmem>> -> memref<128x64xf32, #tpu.memory_space<vmem>>
        %dma_start3A_575 = arith.constant 0 : i32
        %dma_start3A_576 = tpu.memref_slice %arg5[%sub3A_358, %dma_start3A_575] : memref<200x128xi32, #tpu.memory_space<vmem>> -> memref<1x128xi32, #tpu.memory_space<vmem>>
        %dma_start3A_577 = tpu.memref_squeeze %dma_start3A_576 : memref<1x128xi32, #tpu.memory_space<vmem>> -> memref<128xi32, #tpu.memory_space<vmem>>
        %dma_start3A_578 = arith.constant 0 : i32
        %dma_start3A_579 = arith.constant 0 : i32
        %dma_start3A_580 = tpu.memref_slice %arg3[%dma_start3A_578, %dma_start3A_579] : memref<1000000x64xf32, #tpu.memory_space<hbm>> -> memref<1000000x64xf32, #tpu.memory_space<hbm>>
        tpu.enqueue_indirect_dma source(%dma_start3A_580 : memref<1000000x64xf32, #tpu.memory_space<hbm>>) target(%dma_start3A_574 : memref<128x64xf32, #tpu.memory_space<vmem>>) offsets(%dma_start3A_577 : memref<128xi32, #tpu.memory_space<vmem>>) semaphore(%arg9 : memref<!tpu.dma_semaphore, #tpu.memory_space<semaphore_mem>>)
      } else {
      }
      %dma_wait3A_364 = arith.constant 0 : i32
      %dma_wait3A_365 = arith.constant 3 : i32
      %dma_wait3A_366 = arith.constant 0 : i32
      %dma_wait3A_367 = arith.constant 0 : i32
      %dma_wait3A_368 = tpu.memref_slice %arg6[%dma_wait3A_365, %dma_wait3A_366, %dma_wait3A_367] : memref<8x128x64xf32, #tpu.memory_space<vmem>> -> memref<1x128x64xf32, #tpu.memory_space<vmem>>
      %dma_wait3A_369 = tpu.memref_squeeze %dma_wait3A_368 : memref<1x128x64xf32, #tpu.memory_space<vmem>> -> memref<128x64xf32, #tpu.memory_space<vmem>>
      %dma_wait3A_370 = arith.constant 0 : i32
      %dma_wait3A_371 = tpu.memref_slice %arg5[%dma_wait3A_364, %dma_wait3A_370] : memref<200x128xi32, #tpu.memory_space<vmem>> -> memref<1x128xi32, #tpu.memory_space<vmem>>
      %dma_wait3A_372 = tpu.memref_squeeze %dma_wait3A_371 : memref<1x128xi32, #tpu.memory_space<vmem>> -> memref<128xi32, #tpu.memory_space<vmem>>
      %dma_wait3A_373 = arith.constant 0 : i32
      %dma_wait3A_374 = arith.constant 0 : i32
      %dma_wait3A_375 = tpu.memref_slice %arg3[%dma_wait3A_373, %dma_wait3A_374] : memref<1000000x64xf32, #tpu.memory_space<hbm>> -> memref<1000000x64xf32, #tpu.memory_space<hbm>>
      tpu.wait_indirect_dma semaphore(%arg10 : memref<!tpu.dma_semaphore, #tpu.memory_space<semaphore_mem>>) src(%dma_wait3A_375 : memref<1000000x64xf32, #tpu.memory_space<hbm>>) dst(%dma_wait3A_369 : memref<128x64xf32, #tpu.memory_space<vmem>>)
      %add3A_376 = arith.addi %mul3A_2, %add3A_354 : i32
      %dma_start3A_377 = arith.constant 3 : i32
      %dma_start3A_378 = arith.constant 0 : i32
      %dma_start3A_379 = arith.constant 0 : i32
      %dma_start3A_380 = tpu.memref_slice %arg6[%dma_start3A_377, %dma_start3A_378, %dma_start3A_379] : memref<8x128x64xf32, #tpu.memory_space<vmem>> -> memref<1x128x64xf32, #tpu.memory_space<vmem>>
      %dma_start3A_381 = tpu.memref_squeeze %dma_start3A_380 : memref<1x128x64xf32, #tpu.memory_space<vmem>> -> memref<128x64xf32, #tpu.memory_space<vmem>>
      %dma_start3A_382 = arith.constant 0 : i32
      %dma_start3A_383 = arith.constant 0 : i32
      %dma_start3A_384 = tpu.memref_slice %arg4[%add3A_376, %dma_start3A_382, %dma_start3A_383] : memref<6400x128x64xf32, #tpu.memory_space<hbm>> -> memref<1x128x64xf32, #tpu.memory_space<hbm>>
      %dma_start3A_385 = tpu.memref_squeeze %dma_start3A_384 : memref<1x128x64xf32, #tpu.memory_space<hbm>> -> memref<128x64xf32, #tpu.memory_space<hbm>>
      %dma_start3A_386 = arith.constant 0 : i32
      %dma_start3A_387 = arith.constant 0 : i32
      %dma_start3A_388 = tpu.memref_slice %arg4[%add3A_376, %dma_start3A_386, %dma_start3A_387] : memref<6400x128x64xf32, #tpu.memory_space<hbm>> -> memref<1x128x64xf32, #tpu.memory_space<hbm>>
      %dma_start3A_389 = tpu.memref_squeeze %dma_start3A_388 : memref<1x128x64xf32, #tpu.memory_space<hbm>> -> memref<128x64xf32, #tpu.memory_space<hbm>>
      %dma_start3A_390 = arith.constant 0 : i32
      %dma_start3A_391 = arith.constant 0 : i32
      %dma_start3A_392 = tpu.memref_slice %arg6[%dma_start3A_377, %dma_start3A_390, %dma_start3A_391] : memref<8x128x64xf32, #tpu.memory_space<vmem>> -> memref<1x128x64xf32, #tpu.memory_space<vmem>>
      %dma_start3A_393 = tpu.memref_squeeze %dma_start3A_392 : memref<1x128x64xf32, #tpu.memory_space<vmem>> -> memref<128x64xf32, #tpu.memory_space<vmem>>
      tpu.enqueue_dma source(%dma_start3A_393 : memref<128x64xf32, #tpu.memory_space<vmem>>) target(%dma_start3A_389 : memref<128x64xf32, #tpu.memory_space<hbm>>) target_semaphore(%arg18 : memref<!tpu.dma_semaphore, #tpu.memory_space<semaphore_mem>>)
      %mul3A_394 = arith.constant 8 : i32
      %mul3A_395 = arith.muli %scan3A_225, %mul3A_394 : i32
      %add3A_396 = arith.constant 4 : i32
      %add3A_397 = arith.addi %mul3A_395, %add3A_396 : i32
      %add3A_398 = arith.constant 8 : i32
      %add3A_399 = arith.addi %add3A_397, %add3A_398 : i32
      %sub3A_400 = arith.constant 1 : i32
      %sub3A_401 = arith.subi %add3A_399, %sub3A_400 : i32
      %lt3A_402 = arith.constant 200 : i32
      %lt3A_403 = arith.cmpi slt, %sub3A_401, %lt3A_402 : i32
      %convert_element_type3A_404 = arith.extui %lt3A_403 : i1 to i32
      %cond3A_405 = arith.constant 0 : i32
      %cond3A_406 = arith.cmpi ne, %convert_element_type3A_404, %cond3A_405 : i32
      scf.if %cond3A_406 {
        %ge3A = arith.constant 1 : i32
        %ge3A_566 = arith.cmpi sge, %add3A_397, %ge3A : i32
        %convert_element_type3A_567 = arith.extui %ge3A_566 : i1 to i32
        %cond3A_568 = arith.constant 0 : i32
        %cond3A_569 = arith.cmpi ne, %convert_element_type3A_567, %cond3A_568 : i32
        scf.if %cond3A_569 {
          %dma_wait3A_581 = arith.constant 3 : i32
          %dma_wait3A_582 = arith.constant 0 : i32
          %dma_wait3A_583 = arith.constant 0 : i32
          %dma_wait3A_584 = tpu.memref_slice %arg6[%dma_wait3A_581, %dma_wait3A_582, %dma_wait3A_583] : memref<8x128x64xf32, #tpu.memory_space<vmem>> -> memref<1x128x64xf32, #tpu.memory_space<vmem>>
          %dma_wait3A_585 = tpu.memref_squeeze %dma_wait3A_584 : memref<1x128x64xf32, #tpu.memory_space<vmem>> -> memref<128x64xf32, #tpu.memory_space<vmem>>
          %dma_wait3A_586 = arith.constant 0 : i32
          %dma_wait3A_587 = arith.constant 0 : i32
          %dma_wait3A_588 = tpu.memref_slice %arg4[%mul3A_2, %dma_wait3A_586, %dma_wait3A_587] : memref<6400x128x64xf32, #tpu.memory_space<hbm>> -> memref<1x128x64xf32, #tpu.memory_space<hbm>>
          %dma_wait3A_589 = tpu.memref_squeeze %dma_wait3A_588 : memref<1x128x64xf32, #tpu.memory_space<hbm>> -> memref<128x64xf32, #tpu.memory_space<hbm>>
          %dma_wait3A_590 = arith.constant 0 : i32
          %dma_wait3A_591 = arith.constant 0 : i32
          %dma_wait3A_592 = tpu.memref_slice %arg4[%mul3A_2, %dma_wait3A_590, %dma_wait3A_591] : memref<6400x128x64xf32, #tpu.memory_space<hbm>> -> memref<1x128x64xf32, #tpu.memory_space<hbm>>
          %dma_wait3A_593 = tpu.memref_squeeze %dma_wait3A_592 : memref<1x128x64xf32, #tpu.memory_space<hbm>> -> memref<128x64xf32, #tpu.memory_space<hbm>>
          %dma_wait3A_594 = arith.constant 0 : i32
          %dma_wait3A_595 = arith.constant 0 : i32
          %dma_wait3A_596 = tpu.memref_slice %arg6[%dma_wait3A_581, %dma_wait3A_594, %dma_wait3A_595] : memref<8x128x64xf32, #tpu.memory_space<vmem>> -> memref<1x128x64xf32, #tpu.memory_space<vmem>>
          %dma_wait3A_597 = tpu.memref_squeeze %dma_wait3A_596 : memref<1x128x64xf32, #tpu.memory_space<vmem>> -> memref<128x64xf32, #tpu.memory_space<vmem>>
          tpu.wait_dma2 semaphore(%arg18 : memref<!tpu.dma_semaphore, #tpu.memory_space<semaphore_mem>>) src(%dma_wait3A_597 : memref<128x64xf32, #tpu.memory_space<vmem>>) dst(%dma_wait3A_593 : memref<128x64xf32, #tpu.memory_space<hbm>>)
        } else {
        }
        %dma_start3A_570 = arith.constant 3 : i32
        %dma_start3A_571 = arith.constant 0 : i32
        %dma_start3A_572 = arith.constant 0 : i32
        %dma_start3A_573 = tpu.memref_slice %arg6[%dma_start3A_570, %dma_start3A_571, %dma_start3A_572] : memref<8x128x64xf32, #tpu.memory_space<vmem>> -> memref<1x128x64xf32, #tpu.memory_space<vmem>>
        %dma_start3A_574 = tpu.memref_squeeze %dma_start3A_573 : memref<1x128x64xf32, #tpu.memory_space<vmem>> -> memref<128x64xf32, #tpu.memory_space<vmem>>
        %dma_start3A_575 = arith.constant 0 : i32
        %dma_start3A_576 = tpu.memref_slice %arg5[%sub3A_401, %dma_start3A_575] : memref<200x128xi32, #tpu.memory_space<vmem>> -> memref<1x128xi32, #tpu.memory_space<vmem>>
        %dma_start3A_577 = tpu.memref_squeeze %dma_start3A_576 : memref<1x128xi32, #tpu.memory_space<vmem>> -> memref<128xi32, #tpu.memory_space<vmem>>
        %dma_start3A_578 = arith.constant 0 : i32
        %dma_start3A_579 = arith.constant 0 : i32
        %dma_start3A_580 = tpu.memref_slice %arg3[%dma_start3A_578, %dma_start3A_579] : memref<1000000x64xf32, #tpu.memory_space<hbm>> -> memref<1000000x64xf32, #tpu.memory_space<hbm>>
        tpu.enqueue_indirect_dma source(%dma_start3A_580 : memref<1000000x64xf32, #tpu.memory_space<hbm>>) target(%dma_start3A_574 : memref<128x64xf32, #tpu.memory_space<vmem>>) offsets(%dma_start3A_577 : memref<128xi32, #tpu.memory_space<vmem>>) semaphore(%arg10 : memref<!tpu.dma_semaphore, #tpu.memory_space<semaphore_mem>>)
      } else {
      }
      %dma_wait3A_407 = arith.constant 0 : i32
      %dma_wait3A_408 = arith.constant 4 : i32
      %dma_wait3A_409 = arith.constant 0 : i32
      %dma_wait3A_410 = arith.constant 0 : i32
      %dma_wait3A_411 = tpu.memref_slice %arg6[%dma_wait3A_408, %dma_wait3A_409, %dma_wait3A_410] : memref<8x128x64xf32, #tpu.memory_space<vmem>> -> memref<1x128x64xf32, #tpu.memory_space<vmem>>
      %dma_wait3A_412 = tpu.memref_squeeze %dma_wait3A_411 : memref<1x128x64xf32, #tpu.memory_space<vmem>> -> memref<128x64xf32, #tpu.memory_space<vmem>>
      %dma_wait3A_413 = arith.constant 0 : i32
      %dma_wait3A_414 = tpu.memref_slice %arg5[%dma_wait3A_407, %dma_wait3A_413] : memref<200x128xi32, #tpu.memory_space<vmem>> -> memref<1x128xi32, #tpu.memory_space<vmem>>
      %dma_wait3A_415 = tpu.memref_squeeze %dma_wait3A_414 : memref<1x128xi32, #tpu.memory_space<vmem>> -> memref<128xi32, #tpu.memory_space<vmem>>
      %dma_wait3A_416 = arith.constant 0 : i32
      %dma_wait3A_417 = arith.constant 0 : i32
      %dma_wait3A_418 = tpu.memref_slice %arg3[%dma_wait3A_416, %dma_wait3A_417] : memref<1000000x64xf32, #tpu.memory_space<hbm>> -> memref<1000000x64xf32, #tpu.memory_space<hbm>>
      tpu.wait_indirect_dma semaphore(%arg11 : memref<!tpu.dma_semaphore, #tpu.memory_space<semaphore_mem>>) src(%dma_wait3A_418 : memref<1000000x64xf32, #tpu.memory_space<hbm>>) dst(%dma_wait3A_412 : memref<128x64xf32, #tpu.memory_space<vmem>>)
      %add3A_419 = arith.addi %mul3A_2, %add3A_397 : i32
      %dma_start3A_420 = arith.constant 4 : i32
      %dma_start3A_421 = arith.constant 0 : i32
      %dma_start3A_422 = arith.constant 0 : i32
      %dma_start3A_423 = tpu.memref_slice %arg6[%dma_start3A_420, %dma_start3A_421, %dma_start3A_422] : memref<8x128x64xf32, #tpu.memory_space<vmem>> -> memref<1x128x64xf32, #tpu.memory_space<vmem>>
      %dma_start3A_424 = tpu.memref_squeeze %dma_start3A_423 : memref<1x128x64xf32, #tpu.memory_space<vmem>> -> memref<128x64xf32, #tpu.memory_space<vmem>>
      %dma_start3A_425 = arith.constant 0 : i32
      %dma_start3A_426 = arith.constant 0 : i32
      %dma_start3A_427 = tpu.memref_slice %arg4[%add3A_419, %dma_start3A_425, %dma_start3A_426] : memref<6400x128x64xf32, #tpu.memory_space<hbm>> -> memref<1x128x64xf32, #tpu.memory_space<hbm>>
      %dma_start3A_428 = tpu.memref_squeeze %dma_start3A_427 : memref<1x128x64xf32, #tpu.memory_space<hbm>> -> memref<128x64xf32, #tpu.memory_space<hbm>>
      %dma_start3A_429 = arith.constant 0 : i32
      %dma_start3A_430 = arith.constant 0 : i32
      %dma_start3A_431 = tpu.memref_slice %arg4[%add3A_419, %dma_start3A_429, %dma_start3A_430] : memref<6400x128x64xf32, #tpu.memory_space<hbm>> -> memref<1x128x64xf32, #tpu.memory_space<hbm>>
      %dma_start3A_432 = tpu.memref_squeeze %dma_start3A_431 : memref<1x128x64xf32, #tpu.memory_space<hbm>> -> memref<128x64xf32, #tpu.memory_space<hbm>>
      %dma_start3A_433 = arith.constant 0 : i32
      %dma_start3A_434 = arith.constant 0 : i32
      %dma_start3A_435 = tpu.memref_slice %arg6[%dma_start3A_420, %dma_start3A_433, %dma_start3A_434] : memref<8x128x64xf32, #tpu.memory_space<vmem>> -> memref<1x128x64xf32, #tpu.memory_space<vmem>>
      %dma_start3A_436 = tpu.memref_squeeze %dma_start3A_435 : memref<1x128x64xf32, #tpu.memory_space<vmem>> -> memref<128x64xf32, #tpu.memory_space<vmem>>
      tpu.enqueue_dma source(%dma_start3A_436 : memref<128x64xf32, #tpu.memory_space<vmem>>) target(%dma_start3A_432 : memref<128x64xf32, #tpu.memory_space<hbm>>) target_semaphore(%arg19 : memref<!tpu.dma_semaphore, #tpu.memory_space<semaphore_mem>>)
      %mul3A_437 = arith.constant 8 : i32
      %mul3A_438 = arith.muli %scan3A_225, %mul3A_437 : i32
      %add3A_439 = arith.constant 5 : i32
      %add3A_440 = arith.addi %mul3A_438, %add3A_439 : i32
      %add3A_441 = arith.constant 8 : i32
      %add3A_442 = arith.addi %add3A_440, %add3A_441 : i32
      %sub3A_443 = arith.constant 1 : i32
      %sub3A_444 = arith.subi %add3A_442, %sub3A_443 : i32
      %lt3A_445 = arith.constant 200 : i32
      %lt3A_446 = arith.cmpi slt, %sub3A_444, %lt3A_445 : i32
      %convert_element_type3A_447 = arith.extui %lt3A_446 : i1 to i32
      %cond3A_448 = arith.constant 0 : i32
      %cond3A_449 = arith.cmpi ne, %convert_element_type3A_447, %cond3A_448 : i32
      scf.if %cond3A_449 {
        %ge3A = arith.constant 1 : i32
        %ge3A_566 = arith.cmpi sge, %add3A_440, %ge3A : i32
        %convert_element_type3A_567 = arith.extui %ge3A_566 : i1 to i32
        %cond3A_568 = arith.constant 0 : i32
        %cond3A_569 = arith.cmpi ne, %convert_element_type3A_567, %cond3A_568 : i32
        scf.if %cond3A_569 {
          %dma_wait3A_581 = arith.constant 4 : i32
          %dma_wait3A_582 = arith.constant 0 : i32
          %dma_wait3A_583 = arith.constant 0 : i32
          %dma_wait3A_584 = tpu.memref_slice %arg6[%dma_wait3A_581, %dma_wait3A_582, %dma_wait3A_583] : memref<8x128x64xf32, #tpu.memory_space<vmem>> -> memref<1x128x64xf32, #tpu.memory_space<vmem>>
          %dma_wait3A_585 = tpu.memref_squeeze %dma_wait3A_584 : memref<1x128x64xf32, #tpu.memory_space<vmem>> -> memref<128x64xf32, #tpu.memory_space<vmem>>
          %dma_wait3A_586 = arith.constant 0 : i32
          %dma_wait3A_587 = arith.constant 0 : i32
          %dma_wait3A_588 = tpu.memref_slice %arg4[%mul3A_2, %dma_wait3A_586, %dma_wait3A_587] : memref<6400x128x64xf32, #tpu.memory_space<hbm>> -> memref<1x128x64xf32, #tpu.memory_space<hbm>>
          %dma_wait3A_589 = tpu.memref_squeeze %dma_wait3A_588 : memref<1x128x64xf32, #tpu.memory_space<hbm>> -> memref<128x64xf32, #tpu.memory_space<hbm>>
          %dma_wait3A_590 = arith.constant 0 : i32
          %dma_wait3A_591 = arith.constant 0 : i32
          %dma_wait3A_592 = tpu.memref_slice %arg4[%mul3A_2, %dma_wait3A_590, %dma_wait3A_591] : memref<6400x128x64xf32, #tpu.memory_space<hbm>> -> memref<1x128x64xf32, #tpu.memory_space<hbm>>
          %dma_wait3A_593 = tpu.memref_squeeze %dma_wait3A_592 : memref<1x128x64xf32, #tpu.memory_space<hbm>> -> memref<128x64xf32, #tpu.memory_space<hbm>>
          %dma_wait3A_594 = arith.constant 0 : i32
          %dma_wait3A_595 = arith.constant 0 : i32
          %dma_wait3A_596 = tpu.memref_slice %arg6[%dma_wait3A_581, %dma_wait3A_594, %dma_wait3A_595] : memref<8x128x64xf32, #tpu.memory_space<vmem>> -> memref<1x128x64xf32, #tpu.memory_space<vmem>>
          %dma_wait3A_597 = tpu.memref_squeeze %dma_wait3A_596 : memref<1x128x64xf32, #tpu.memory_space<vmem>> -> memref<128x64xf32, #tpu.memory_space<vmem>>
          tpu.wait_dma2 semaphore(%arg19 : memref<!tpu.dma_semaphore, #tpu.memory_space<semaphore_mem>>) src(%dma_wait3A_597 : memref<128x64xf32, #tpu.memory_space<vmem>>) dst(%dma_wait3A_593 : memref<128x64xf32, #tpu.memory_space<hbm>>)
        } else {
        }
        %dma_start3A_570 = arith.constant 4 : i32
        %dma_start3A_571 = arith.constant 0 : i32
        %dma_start3A_572 = arith.constant 0 : i32
        %dma_start3A_573 = tpu.memref_slice %arg6[%dma_start3A_570, %dma_start3A_571, %dma_start3A_572] : memref<8x128x64xf32, #tpu.memory_space<vmem>> -> memref<1x128x64xf32, #tpu.memory_space<vmem>>
        %dma_start3A_574 = tpu.memref_squeeze %dma_start3A_573 : memref<1x128x64xf32, #tpu.memory_space<vmem>> -> memref<128x64xf32, #tpu.memory_space<vmem>>
        %dma_start3A_575 = arith.constant 0 : i32
        %dma_start3A_576 = tpu.memref_slice %arg5[%sub3A_444, %dma_start3A_575] : memref<200x128xi32, #tpu.memory_space<vmem>> -> memref<1x128xi32, #tpu.memory_space<vmem>>
        %dma_start3A_577 = tpu.memref_squeeze %dma_start3A_576 : memref<1x128xi32, #tpu.memory_space<vmem>> -> memref<128xi32, #tpu.memory_space<vmem>>
        %dma_start3A_578 = arith.constant 0 : i32
        %dma_start3A_579 = arith.constant 0 : i32
        %dma_start3A_580 = tpu.memref_slice %arg3[%dma_start3A_578, %dma_start3A_579] : memref<1000000x64xf32, #tpu.memory_space<hbm>> -> memref<1000000x64xf32, #tpu.memory_space<hbm>>
        tpu.enqueue_indirect_dma source(%dma_start3A_580 : memref<1000000x64xf32, #tpu.memory_space<hbm>>) target(%dma_start3A_574 : memref<128x64xf32, #tpu.memory_space<vmem>>) offsets(%dma_start3A_577 : memref<128xi32, #tpu.memory_space<vmem>>) semaphore(%arg11 : memref<!tpu.dma_semaphore, #tpu.memory_space<semaphore_mem>>)
      } else {
      }
      %dma_wait3A_450 = arith.constant 0 : i32
      %dma_wait3A_451 = arith.constant 5 : i32
      %dma_wait3A_452 = arith.constant 0 : i32
      %dma_wait3A_453 = arith.constant 0 : i32
      %dma_wait3A_454 = tpu.memref_slice %arg6[%dma_wait3A_451, %dma_wait3A_452, %dma_wait3A_453] : memref<8x128x64xf32, #tpu.memory_space<vmem>> -> memref<1x128x64xf32, #tpu.memory_space<vmem>>
      %dma_wait3A_455 = tpu.memref_squeeze %dma_wait3A_454 : memref<1x128x64xf32, #tpu.memory_space<vmem>> -> memref<128x64xf32, #tpu.memory_space<vmem>>
      %dma_wait3A_456 = arith.constant 0 : i32
      %dma_wait3A_457 = tpu.memref_slice %arg5[%dma_wait3A_450, %dma_wait3A_456] : memref<200x128xi32, #tpu.memory_space<vmem>> -> memref<1x128xi32, #tpu.memory_space<vmem>>
      %dma_wait3A_458 = tpu.memref_squeeze %dma_wait3A_457 : memref<1x128xi32, #tpu.memory_space<vmem>> -> memref<128xi32, #tpu.memory_space<vmem>>
      %dma_wait3A_459 = arith.constant 0 : i32
      %dma_wait3A_460 = arith.constant 0 : i32
      %dma_wait3A_461 = tpu.memref_slice %arg3[%dma_wait3A_459, %dma_wait3A_460] : memref<1000000x64xf32, #tpu.memory_space<hbm>> -> memref<1000000x64xf32, #tpu.memory_space<hbm>>
      tpu.wait_indirect_dma semaphore(%arg12 : memref<!tpu.dma_semaphore, #tpu.memory_space<semaphore_mem>>) src(%dma_wait3A_461 : memref<1000000x64xf32, #tpu.memory_space<hbm>>) dst(%dma_wait3A_455 : memref<128x64xf32, #tpu.memory_space<vmem>>)
      %add3A_462 = arith.addi %mul3A_2, %add3A_440 : i32
      %dma_start3A_463 = arith.constant 5 : i32
      %dma_start3A_464 = arith.constant 0 : i32
      %dma_start3A_465 = arith.constant 0 : i32
      %dma_start3A_466 = tpu.memref_slice %arg6[%dma_start3A_463, %dma_start3A_464, %dma_start3A_465] : memref<8x128x64xf32, #tpu.memory_space<vmem>> -> memref<1x128x64xf32, #tpu.memory_space<vmem>>
      %dma_start3A_467 = tpu.memref_squeeze %dma_start3A_466 : memref<1x128x64xf32, #tpu.memory_space<vmem>> -> memref<128x64xf32, #tpu.memory_space<vmem>>
      %dma_start3A_468 = arith.constant 0 : i32
      %dma_start3A_469 = arith.constant 0 : i32
      %dma_start3A_470 = tpu.memref_slice %arg4[%add3A_462, %dma_start3A_468, %dma_start3A_469] : memref<6400x128x64xf32, #tpu.memory_space<hbm>> -> memref<1x128x64xf32, #tpu.memory_space<hbm>>
      %dma_start3A_471 = tpu.memref_squeeze %dma_start3A_470 : memref<1x128x64xf32, #tpu.memory_space<hbm>> -> memref<128x64xf32, #tpu.memory_space<hbm>>
      %dma_start3A_472 = arith.constant 0 : i32
      %dma_start3A_473 = arith.constant 0 : i32
      %dma_start3A_474 = tpu.memref_slice %arg4[%add3A_462, %dma_start3A_472, %dma_start3A_473] : memref<6400x128x64xf32, #tpu.memory_space<hbm>> -> memref<1x128x64xf32, #tpu.memory_space<hbm>>
      %dma_start3A_475 = tpu.memref_squeeze %dma_start3A_474 : memref<1x128x64xf32, #tpu.memory_space<hbm>> -> memref<128x64xf32, #tpu.memory_space<hbm>>
      %dma_start3A_476 = arith.constant 0 : i32
      %dma_start3A_477 = arith.constant 0 : i32
      %dma_start3A_478 = tpu.memref_slice %arg6[%dma_start3A_463, %dma_start3A_476, %dma_start3A_477] : memref<8x128x64xf32, #tpu.memory_space<vmem>> -> memref<1x128x64xf32, #tpu.memory_space<vmem>>
      %dma_start3A_479 = tpu.memref_squeeze %dma_start3A_478 : memref<1x128x64xf32, #tpu.memory_space<vmem>> -> memref<128x64xf32, #tpu.memory_space<vmem>>
      tpu.enqueue_dma source(%dma_start3A_479 : memref<128x64xf32, #tpu.memory_space<vmem>>) target(%dma_start3A_475 : memref<128x64xf32, #tpu.memory_space<hbm>>) target_semaphore(%arg20 : memref<!tpu.dma_semaphore, #tpu.memory_space<semaphore_mem>>)
      %mul3A_480 = arith.constant 8 : i32
      %mul3A_481 = arith.muli %scan3A_225, %mul3A_480 : i32
      %add3A_482 = arith.constant 6 : i32
      %add3A_483 = arith.addi %mul3A_481, %add3A_482 : i32
      %add3A_484 = arith.constant 8 : i32
      %add3A_485 = arith.addi %add3A_483, %add3A_484 : i32
      %sub3A_486 = arith.constant 1 : i32
      %sub3A_487 = arith.subi %add3A_485, %sub3A_486 : i32
      %lt3A_488 = arith.constant 200 : i32
      %lt3A_489 = arith.cmpi slt, %sub3A_487, %lt3A_488 : i32
      %convert_element_type3A_490 = arith.extui %lt3A_489 : i1 to i32
      %cond3A_491 = arith.constant 0 : i32
      %cond3A_492 = arith.cmpi ne, %convert_element_type3A_490, %cond3A_491 : i32
      scf.if %cond3A_492 {
        %ge3A = arith.constant 1 : i32
        %ge3A_566 = arith.cmpi sge, %add3A_483, %ge3A : i32
        %convert_element_type3A_567 = arith.extui %ge3A_566 : i1 to i32
        %cond3A_568 = arith.constant 0 : i32
        %cond3A_569 = arith.cmpi ne, %convert_element_type3A_567, %cond3A_568 : i32
        scf.if %cond3A_569 {
          %dma_wait3A_581 = arith.constant 5 : i32
          %dma_wait3A_582 = arith.constant 0 : i32
          %dma_wait3A_583 = arith.constant 0 : i32
          %dma_wait3A_584 = tpu.memref_slice %arg6[%dma_wait3A_581, %dma_wait3A_582, %dma_wait3A_583] : memref<8x128x64xf32, #tpu.memory_space<vmem>> -> memref<1x128x64xf32, #tpu.memory_space<vmem>>
          %dma_wait3A_585 = tpu.memref_squeeze %dma_wait3A_584 : memref<1x128x64xf32, #tpu.memory_space<vmem>> -> memref<128x64xf32, #tpu.memory_space<vmem>>
          %dma_wait3A_586 = arith.constant 0 : i32
          %dma_wait3A_587 = arith.constant 0 : i32
          %dma_wait3A_588 = tpu.memref_slice %arg4[%mul3A_2, %dma_wait3A_586, %dma_wait3A_587] : memref<6400x128x64xf32, #tpu.memory_space<hbm>> -> memref<1x128x64xf32, #tpu.memory_space<hbm>>
          %dma_wait3A_589 = tpu.memref_squeeze %dma_wait3A_588 : memref<1x128x64xf32, #tpu.memory_space<hbm>> -> memref<128x64xf32, #tpu.memory_space<hbm>>
          %dma_wait3A_590 = arith.constant 0 : i32
          %dma_wait3A_591 = arith.constant 0 : i32
          %dma_wait3A_592 = tpu.memref_slice %arg4[%mul3A_2, %dma_wait3A_590, %dma_wait3A_591] : memref<6400x128x64xf32, #tpu.memory_space<hbm>> -> memref<1x128x64xf32, #tpu.memory_space<hbm>>
          %dma_wait3A_593 = tpu.memref_squeeze %dma_wait3A_592 : memref<1x128x64xf32, #tpu.memory_space<hbm>> -> memref<128x64xf32, #tpu.memory_space<hbm>>
          %dma_wait3A_594 = arith.constant 0 : i32
          %dma_wait3A_595 = arith.constant 0 : i32
          %dma_wait3A_596 = tpu.memref_slice %arg6[%dma_wait3A_581, %dma_wait3A_594, %dma_wait3A_595] : memref<8x128x64xf32, #tpu.memory_space<vmem>> -> memref<1x128x64xf32, #tpu.memory_space<vmem>>
          %dma_wait3A_597 = tpu.memref_squeeze %dma_wait3A_596 : memref<1x128x64xf32, #tpu.memory_space<vmem>> -> memref<128x64xf32, #tpu.memory_space<vmem>>
          tpu.wait_dma2 semaphore(%arg20 : memref<!tpu.dma_semaphore, #tpu.memory_space<semaphore_mem>>) src(%dma_wait3A_597 : memref<128x64xf32, #tpu.memory_space<vmem>>) dst(%dma_wait3A_593 : memref<128x64xf32, #tpu.memory_space<hbm>>)
        } else {
        }
        %dma_start3A_570 = arith.constant 5 : i32
        %dma_start3A_571 = arith.constant 0 : i32
        %dma_start3A_572 = arith.constant 0 : i32
        %dma_start3A_573 = tpu.memref_slice %arg6[%dma_start3A_570, %dma_start3A_571, %dma_start3A_572] : memref<8x128x64xf32, #tpu.memory_space<vmem>> -> memref<1x128x64xf32, #tpu.memory_space<vmem>>
        %dma_start3A_574 = tpu.memref_squeeze %dma_start3A_573 : memref<1x128x64xf32, #tpu.memory_space<vmem>> -> memref<128x64xf32, #tpu.memory_space<vmem>>
        %dma_start3A_575 = arith.constant 0 : i32
        %dma_start3A_576 = tpu.memref_slice %arg5[%sub3A_487, %dma_start3A_575] : memref<200x128xi32, #tpu.memory_space<vmem>> -> memref<1x128xi32, #tpu.memory_space<vmem>>
        %dma_start3A_577 = tpu.memref_squeeze %dma_start3A_576 : memref<1x128xi32, #tpu.memory_space<vmem>> -> memref<128xi32, #tpu.memory_space<vmem>>
        %dma_start3A_578 = arith.constant 0 : i32
        %dma_start3A_579 = arith.constant 0 : i32
        %dma_start3A_580 = tpu.memref_slice %arg3[%dma_start3A_578, %dma_start3A_579] : memref<1000000x64xf32, #tpu.memory_space<hbm>> -> memref<1000000x64xf32, #tpu.memory_space<hbm>>
        tpu.enqueue_indirect_dma source(%dma_start3A_580 : memref<1000000x64xf32, #tpu.memory_space<hbm>>) target(%dma_start3A_574 : memref<128x64xf32, #tpu.memory_space<vmem>>) offsets(%dma_start3A_577 : memref<128xi32, #tpu.memory_space<vmem>>) semaphore(%arg12 : memref<!tpu.dma_semaphore, #tpu.memory_space<semaphore_mem>>)
      } else {
      }
      %dma_wait3A_493 = arith.constant 0 : i32
      %dma_wait3A_494 = arith.constant 6 : i32
      %dma_wait3A_495 = arith.constant 0 : i32
      %dma_wait3A_496 = arith.constant 0 : i32
      %dma_wait3A_497 = tpu.memref_slice %arg6[%dma_wait3A_494, %dma_wait3A_495, %dma_wait3A_496] : memref<8x128x64xf32, #tpu.memory_space<vmem>> -> memref<1x128x64xf32, #tpu.memory_space<vmem>>
      %dma_wait3A_498 = tpu.memref_squeeze %dma_wait3A_497 : memref<1x128x64xf32, #tpu.memory_space<vmem>> -> memref<128x64xf32, #tpu.memory_space<vmem>>
      %dma_wait3A_499 = arith.constant 0 : i32
      %dma_wait3A_500 = tpu.memref_slice %arg5[%dma_wait3A_493, %dma_wait3A_499] : memref<200x128xi32, #tpu.memory_space<vmem>> -> memref<1x128xi32, #tpu.memory_space<vmem>>
      %dma_wait3A_501 = tpu.memref_squeeze %dma_wait3A_500 : memref<1x128xi32, #tpu.memory_space<vmem>> -> memref<128xi32, #tpu.memory_space<vmem>>
      %dma_wait3A_502 = arith.constant 0 : i32
      %dma_wait3A_503 = arith.constant 0 : i32
      %dma_wait3A_504 = tpu.memref_slice %arg3[%dma_wait3A_502, %dma_wait3A_503] : memref<1000000x64xf32, #tpu.memory_space<hbm>> -> memref<1000000x64xf32, #tpu.memory_space<hbm>>
      tpu.wait_indirect_dma semaphore(%arg13 : memref<!tpu.dma_semaphore, #tpu.memory_space<semaphore_mem>>) src(%dma_wait3A_504 : memref<1000000x64xf32, #tpu.memory_space<hbm>>) dst(%dma_wait3A_498 : memref<128x64xf32, #tpu.memory_space<vmem>>)
      %add3A_505 = arith.addi %mul3A_2, %add3A_483 : i32
      %dma_start3A_506 = arith.constant 6 : i32
      %dma_start3A_507 = arith.constant 0 : i32
      %dma_start3A_508 = arith.constant 0 : i32
      %dma_start3A_509 = tpu.memref_slice %arg6[%dma_start3A_506, %dma_start3A_507, %dma_start3A_508] : memref<8x128x64xf32, #tpu.memory_space<vmem>> -> memref<1x128x64xf32, #tpu.memory_space<vmem>>
      %dma_start3A_510 = tpu.memref_squeeze %dma_start3A_509 : memref<1x128x64xf32, #tpu.memory_space<vmem>> -> memref<128x64xf32, #tpu.memory_space<vmem>>
      %dma_start3A_511 = arith.constant 0 : i32
      %dma_start3A_512 = arith.constant 0 : i32
      %dma_start3A_513 = tpu.memref_slice %arg4[%add3A_505, %dma_start3A_511, %dma_start3A_512] : memref<6400x128x64xf32, #tpu.memory_space<hbm>> -> memref<1x128x64xf32, #tpu.memory_space<hbm>>
      %dma_start3A_514 = tpu.memref_squeeze %dma_start3A_513 : memref<1x128x64xf32, #tpu.memory_space<hbm>> -> memref<128x64xf32, #tpu.memory_space<hbm>>
      %dma_start3A_515 = arith.constant 0 : i32
      %dma_start3A_516 = arith.constant 0 : i32
      %dma_start3A_517 = tpu.memref_slice %arg4[%add3A_505, %dma_start3A_515, %dma_start3A_516] : memref<6400x128x64xf32, #tpu.memory_space<hbm>> -> memref<1x128x64xf32, #tpu.memory_space<hbm>>
      %dma_start3A_518 = tpu.memref_squeeze %dma_start3A_517 : memref<1x128x64xf32, #tpu.memory_space<hbm>> -> memref<128x64xf32, #tpu.memory_space<hbm>>
      %dma_start3A_519 = arith.constant 0 : i32
      %dma_start3A_520 = arith.constant 0 : i32
      %dma_start3A_521 = tpu.memref_slice %arg6[%dma_start3A_506, %dma_start3A_519, %dma_start3A_520] : memref<8x128x64xf32, #tpu.memory_space<vmem>> -> memref<1x128x64xf32, #tpu.memory_space<vmem>>
      %dma_start3A_522 = tpu.memref_squeeze %dma_start3A_521 : memref<1x128x64xf32, #tpu.memory_space<vmem>> -> memref<128x64xf32, #tpu.memory_space<vmem>>
      tpu.enqueue_dma source(%dma_start3A_522 : memref<128x64xf32, #tpu.memory_space<vmem>>) target(%dma_start3A_518 : memref<128x64xf32, #tpu.memory_space<hbm>>) target_semaphore(%arg21 : memref<!tpu.dma_semaphore, #tpu.memory_space<semaphore_mem>>)
      %mul3A_523 = arith.constant 8 : i32
      %mul3A_524 = arith.muli %scan3A_225, %mul3A_523 : i32
      %add3A_525 = arith.constant 7 : i32
      %add3A_526 = arith.addi %mul3A_524, %add3A_525 : i32
      %add3A_527 = arith.constant 8 : i32
      %add3A_528 = arith.addi %add3A_526, %add3A_527 : i32
      %sub3A_529 = arith.constant 1 : i32
      %sub3A_530 = arith.subi %add3A_528, %sub3A_529 : i32
      %lt3A_531 = arith.constant 200 : i32
      %lt3A_532 = arith.cmpi slt, %sub3A_530, %lt3A_531 : i32
      %convert_element_type3A_533 = arith.extui %lt3A_532 : i1 to i32
      %cond3A_534 = arith.constant 0 : i32
      %cond3A_535 = arith.cmpi ne, %convert_element_type3A_533, %cond3A_534 : i32
      scf.if %cond3A_535 {
        %ge3A = arith.constant 1 : i32
        %ge3A_566 = arith.cmpi sge, %add3A_526, %ge3A : i32
        %convert_element_type3A_567 = arith.extui %ge3A_566 : i1 to i32
        %cond3A_568 = arith.constant 0 : i32
        %cond3A_569 = arith.cmpi ne, %convert_element_type3A_567, %cond3A_568 : i32
        scf.if %cond3A_569 {
          %dma_wait3A_581 = arith.constant 6 : i32
          %dma_wait3A_582 = arith.constant 0 : i32
          %dma_wait3A_583 = arith.constant 0 : i32
          %dma_wait3A_584 = tpu.memref_slice %arg6[%dma_wait3A_581, %dma_wait3A_582, %dma_wait3A_583] : memref<8x128x64xf32, #tpu.memory_space<vmem>> -> memref<1x128x64xf32, #tpu.memory_space<vmem>>
          %dma_wait3A_585 = tpu.memref_squeeze %dma_wait3A_584 : memref<1x128x64xf32, #tpu.memory_space<vmem>> -> memref<128x64xf32, #tpu.memory_space<vmem>>
          %dma_wait3A_586 = arith.constant 0 : i32
          %dma_wait3A_587 = arith.constant 0 : i32
          %dma_wait3A_588 = tpu.memref_slice %arg4[%mul3A_2, %dma_wait3A_586, %dma_wait3A_587] : memref<6400x128x64xf32, #tpu.memory_space<hbm>> -> memref<1x128x64xf32, #tpu.memory_space<hbm>>
          %dma_wait3A_589 = tpu.memref_squeeze %dma_wait3A_588 : memref<1x128x64xf32, #tpu.memory_space<hbm>> -> memref<128x64xf32, #tpu.memory_space<hbm>>
          %dma_wait3A_590 = arith.constant 0 : i32
          %dma_wait3A_591 = arith.constant 0 : i32
          %dma_wait3A_592 = tpu.memref_slice %arg4[%mul3A_2, %dma_wait3A_590, %dma_wait3A_591] : memref<6400x128x64xf32, #tpu.memory_space<hbm>> -> memref<1x128x64xf32, #tpu.memory_space<hbm>>
          %dma_wait3A_593 = tpu.memref_squeeze %dma_wait3A_592 : memref<1x128x64xf32, #tpu.memory_space<hbm>> -> memref<128x64xf32, #tpu.memory_space<hbm>>
          %dma_wait3A_594 = arith.constant 0 : i32
          %dma_wait3A_595 = arith.constant 0 : i32
          %dma_wait3A_596 = tpu.memref_slice %arg6[%dma_wait3A_581, %dma_wait3A_594, %dma_wait3A_595] : memref<8x128x64xf32, #tpu.memory_space<vmem>> -> memref<1x128x64xf32, #tpu.memory_space<vmem>>
          %dma_wait3A_597 = tpu.memref_squeeze %dma_wait3A_596 : memref<1x128x64xf32, #tpu.memory_space<vmem>> -> memref<128x64xf32, #tpu.memory_space<vmem>>
          tpu.wait_dma2 semaphore(%arg21 : memref<!tpu.dma_semaphore, #tpu.memory_space<semaphore_mem>>) src(%dma_wait3A_597 : memref<128x64xf32, #tpu.memory_space<vmem>>) dst(%dma_wait3A_593 : memref<128x64xf32, #tpu.memory_space<hbm>>)
        } else {
        }
        %dma_start3A_570 = arith.constant 6 : i32
        %dma_start3A_571 = arith.constant 0 : i32
        %dma_start3A_572 = arith.constant 0 : i32
        %dma_start3A_573 = tpu.memref_slice %arg6[%dma_start3A_570, %dma_start3A_571, %dma_start3A_572] : memref<8x128x64xf32, #tpu.memory_space<vmem>> -> memref<1x128x64xf32, #tpu.memory_space<vmem>>
        %dma_start3A_574 = tpu.memref_squeeze %dma_start3A_573 : memref<1x128x64xf32, #tpu.memory_space<vmem>> -> memref<128x64xf32, #tpu.memory_space<vmem>>
        %dma_start3A_575 = arith.constant 0 : i32
        %dma_start3A_576 = tpu.memref_slice %arg5[%sub3A_530, %dma_start3A_575] : memref<200x128xi32, #tpu.memory_space<vmem>> -> memref<1x128xi32, #tpu.memory_space<vmem>>
        %dma_start3A_577 = tpu.memref_squeeze %dma_start3A_576 : memref<1x128xi32, #tpu.memory_space<vmem>> -> memref<128xi32, #tpu.memory_space<vmem>>
        %dma_start3A_578 = arith.constant 0 : i32
        %dma_start3A_579 = arith.constant 0 : i32
        %dma_start3A_580 = tpu.memref_slice %arg3[%dma_start3A_578, %dma_start3A_579] : memref<1000000x64xf32, #tpu.memory_space<hbm>> -> memref<1000000x64xf32, #tpu.memory_space<hbm>>
        tpu.enqueue_indirect_dma source(%dma_start3A_580 : memref<1000000x64xf32, #tpu.memory_space<hbm>>) target(%dma_start3A_574 : memref<128x64xf32, #tpu.memory_space<vmem>>) offsets(%dma_start3A_577 : memref<128xi32, #tpu.memory_space<vmem>>) semaphore(%arg13 : memref<!tpu.dma_semaphore, #tpu.memory_space<semaphore_mem>>)
      } else {
      }
      %dma_wait3A_536 = arith.constant 0 : i32
      %dma_wait3A_537 = arith.constant 7 : i32
      %dma_wait3A_538 = arith.constant 0 : i32
      %dma_wait3A_539 = arith.constant 0 : i32
      %dma_wait3A_540 = tpu.memref_slice %arg6[%dma_wait3A_537, %dma_wait3A_538, %dma_wait3A_539] : memref<8x128x64xf32, #tpu.memory_space<vmem>> -> memref<1x128x64xf32, #tpu.memory_space<vmem>>
      %dma_wait3A_541 = tpu.memref_squeeze %dma_wait3A_540 : memref<1x128x64xf32, #tpu.memory_space<vmem>> -> memref<128x64xf32, #tpu.memory_space<vmem>>
      %dma_wait3A_542 = arith.constant 0 : i32
      %dma_wait3A_543 = tpu.memref_slice %arg5[%dma_wait3A_536, %dma_wait3A_542] : memref<200x128xi32, #tpu.memory_space<vmem>> -> memref<1x128xi32, #tpu.memory_space<vmem>>
      %dma_wait3A_544 = tpu.memref_squeeze %dma_wait3A_543 : memref<1x128xi32, #tpu.memory_space<vmem>> -> memref<128xi32, #tpu.memory_space<vmem>>
      %dma_wait3A_545 = arith.constant 0 : i32
      %dma_wait3A_546 = arith.constant 0 : i32
      %dma_wait3A_547 = tpu.memref_slice %arg3[%dma_wait3A_545, %dma_wait3A_546] : memref<1000000x64xf32, #tpu.memory_space<hbm>> -> memref<1000000x64xf32, #tpu.memory_space<hbm>>
      tpu.wait_indirect_dma semaphore(%arg14 : memref<!tpu.dma_semaphore, #tpu.memory_space<semaphore_mem>>) src(%dma_wait3A_547 : memref<1000000x64xf32, #tpu.memory_space<hbm>>) dst(%dma_wait3A_541 : memref<128x64xf32, #tpu.memory_space<vmem>>)
      %add3A_548 = arith.addi %mul3A_2, %add3A_526 : i32
      %dma_start3A_549 = arith.constant 7 : i32
      %dma_start3A_550 = arith.constant 0 : i32
      %dma_start3A_551 = arith.constant 0 : i32
      %dma_start3A_552 = tpu.memref_slice %arg6[%dma_start3A_549, %dma_start3A_550, %dma_start3A_551] : memref<8x128x64xf32, #tpu.memory_space<vmem>> -> memref<1x128x64xf32, #tpu.memory_space<vmem>>
      %dma_start3A_553 = tpu.memref_squeeze %dma_start3A_552 : memref<1x128x64xf32, #tpu.memory_space<vmem>> -> memref<128x64xf32, #tpu.memory_space<vmem>>
      %dma_start3A_554 = arith.constant 0 : i32
      %dma_start3A_555 = arith.constant 0 : i32
      %dma_start3A_556 = tpu.memref_slice %arg4[%add3A_548, %dma_start3A_554, %dma_start3A_555] : memref<6400x128x64xf32, #tpu.memory_space<hbm>> -> memref<1x128x64xf32, #tpu.memory_space<hbm>>
      %dma_start3A_557 = tpu.memref_squeeze %dma_start3A_556 : memref<1x128x64xf32, #tpu.memory_space<hbm>> -> memref<128x64xf32, #tpu.memory_space<hbm>>
      %dma_start3A_558 = arith.constant 0 : i32
      %dma_start3A_559 = arith.constant 0 : i32
      %dma_start3A_560 = tpu.memref_slice %arg4[%add3A_548, %dma_start3A_558, %dma_start3A_559] : memref<6400x128x64xf32, #tpu.memory_space<hbm>> -> memref<1x128x64xf32, #tpu.memory_space<hbm>>
      %dma_start3A_561 = tpu.memref_squeeze %dma_start3A_560 : memref<1x128x64xf32, #tpu.memory_space<hbm>> -> memref<128x64xf32, #tpu.memory_space<hbm>>
      %dma_start3A_562 = arith.constant 0 : i32
      %dma_start3A_563 = arith.constant 0 : i32
      %dma_start3A_564 = tpu.memref_slice %arg6[%dma_start3A_549, %dma_start3A_562, %dma_start3A_563] : memref<8x128x64xf32, #tpu.memory_space<vmem>> -> memref<1x128x64xf32, #tpu.memory_space<vmem>>
      %dma_start3A_565 = tpu.memref_squeeze %dma_start3A_564 : memref<1x128x64xf32, #tpu.memory_space<vmem>> -> memref<128x64xf32, #tpu.memory_space<vmem>>
      tpu.enqueue_dma source(%dma_start3A_565 : memref<128x64xf32, #tpu.memory_space<vmem>>) target(%dma_start3A_561 : memref<128x64xf32, #tpu.memory_space<hbm>>) target_semaphore(%arg22 : memref<!tpu.dma_semaphore, #tpu.memory_space<semaphore_mem>>)
    }
    %scan3A_89 = arith.constant 25 : i32
    %dma_wait3A = arith.constant 0 : i32
    %dma_wait3A_90 = arith.constant 0 : i32
    %dma_wait3A_91 = arith.constant 0 : i32
    %dma_wait3A_92 = tpu.memref_slice %arg6[%dma_wait3A, %dma_wait3A_90, %dma_wait3A_91] : memref<8x128x64xf32, #tpu.memory_space<vmem>> -> memref<1x128x64xf32, #tpu.memory_space<vmem>>
    %dma_wait3A_93 = tpu.memref_squeeze %dma_wait3A_92 : memref<1x128x64xf32, #tpu.memory_space<vmem>> -> memref<128x64xf32, #tpu.memory_space<vmem>>
    %dma_wait3A_94 = arith.constant 0 : i32
    %dma_wait3A_95 = arith.constant 0 : i32
    %dma_wait3A_96 = tpu.memref_slice %arg4[%mul3A_2, %dma_wait3A_94, %dma_wait3A_95] : memref<6400x128x64xf32, #tpu.memory_space<hbm>> -> memref<1x128x64xf32, #tpu.memory_space<hbm>>
    %dma_wait3A_97 = tpu.memref_squeeze %dma_wait3A_96 : memref<1x128x64xf32, #tpu.memory_space<hbm>> -> memref<128x64xf32, #tpu.memory_space<hbm>>
    %dma_wait3A_98 = arith.constant 0 : i32
    %dma_wait3A_99 = arith.constant 0 : i32
    %dma_wait3A_100 = tpu.memref_slice %arg4[%mul3A_2, %dma_wait3A_98, %dma_wait3A_99] : memref<6400x128x64xf32, #tpu.memory_space<hbm>> -> memref<1x128x64xf32, #tpu.memory_space<hbm>>
    %dma_wait3A_101 = tpu.memref_squeeze %dma_wait3A_100 : memref<1x128x64xf32, #tpu.memory_space<hbm>> -> memref<128x64xf32, #tpu.memory_space<hbm>>
    %dma_wait3A_102 = arith.constant 0 : i32
    %dma_wait3A_103 = arith.constant 0 : i32
    %dma_wait3A_104 = tpu.memref_slice %arg6[%dma_wait3A, %dma_wait3A_102, %dma_wait3A_103] : memref<8x128x64xf32, #tpu.memory_space<vmem>> -> memref<1x128x64xf32, #tpu.memory_space<vmem>>
    %dma_wait3A_105 = tpu.memref_squeeze %dma_wait3A_104 : memref<1x128x64xf32, #tpu.memory_space<vmem>> -> memref<128x64xf32, #tpu.memory_space<vmem>>
    tpu.wait_dma2 semaphore(%arg15 : memref<!tpu.dma_semaphore, #tpu.memory_space<semaphore_mem>>) src(%dma_wait3A_105 : memref<128x64xf32, #tpu.memory_space<vmem>>) dst(%dma_wait3A_101 : memref<128x64xf32, #tpu.memory_space<hbm>>)
    %dma_wait3A_106 = arith.constant 1 : i32
    %dma_wait3A_107 = arith.constant 0 : i32
    %dma_wait3A_108 = arith.constant 0 : i32
    %dma_wait3A_109 = tpu.memref_slice %arg6[%dma_wait3A_106, %dma_wait3A_107, %dma_wait3A_108] : memref<8x128x64xf32, #tpu.memory_space<vmem>> -> memref<1x128x64xf32, #tpu.memory_space<vmem>>
    %dma_wait3A_110 = tpu.memref_squeeze %dma_wait3A_109 : memref<1x128x64xf32, #tpu.memory_space<vmem>> -> memref<128x64xf32, #tpu.memory_space<vmem>>
    %dma_wait3A_111 = arith.constant 0 : i32
    %dma_wait3A_112 = arith.constant 0 : i32
    %dma_wait3A_113 = tpu.memref_slice %arg4[%mul3A_2, %dma_wait3A_111, %dma_wait3A_112] : memref<6400x128x64xf32, #tpu.memory_space<hbm>> -> memref<1x128x64xf32, #tpu.memory_space<hbm>>
    %dma_wait3A_114 = tpu.memref_squeeze %dma_wait3A_113 : memref<1x128x64xf32, #tpu.memory_space<hbm>> -> memref<128x64xf32, #tpu.memory_space<hbm>>
    %dma_wait3A_115 = arith.constant 0 : i32
    %dma_wait3A_116 = arith.constant 0 : i32
    %dma_wait3A_117 = tpu.memref_slice %arg4[%mul3A_2, %dma_wait3A_115, %dma_wait3A_116] : memref<6400x128x64xf32, #tpu.memory_space<hbm>> -> memref<1x128x64xf32, #tpu.memory_space<hbm>>
    %dma_wait3A_118 = tpu.memref_squeeze %dma_wait3A_117 : memref<1x128x64xf32, #tpu.memory_space<hbm>> -> memref<128x64xf32, #tpu.memory_space<hbm>>
    %dma_wait3A_119 = arith.constant 0 : i32
    %dma_wait3A_120 = arith.constant 0 : i32
    %dma_wait3A_121 = tpu.memref_slice %arg6[%dma_wait3A_106, %dma_wait3A_119, %dma_wait3A_120] : memref<8x128x64xf32, #tpu.memory_space<vmem>> -> memref<1x128x64xf32, #tpu.memory_space<vmem>>
    %dma_wait3A_122 = tpu.memref_squeeze %dma_wait3A_121 : memref<1x128x64xf32, #tpu.memory_space<vmem>> -> memref<128x64xf32, #tpu.memory_space<vmem>>
    tpu.wait_dma2 semaphore(%arg16 : memref<!tpu.dma_semaphore, #tpu.memory_space<semaphore_mem>>) src(%dma_wait3A_122 : memref<128x64xf32, #tpu.memory_space<vmem>>) dst(%dma_wait3A_118 : memref<128x64xf32, #tpu.memory_space<hbm>>)
    %dma_wait3A_123 = arith.constant 2 : i32
    %dma_wait3A_124 = arith.constant 0 : i32
    %dma_wait3A_125 = arith.constant 0 : i32
    %dma_wait3A_126 = tpu.memref_slice %arg6[%dma_wait3A_123, %dma_wait3A_124, %dma_wait3A_125] : memref<8x128x64xf32, #tpu.memory_space<vmem>> -> memref<1x128x64xf32, #tpu.memory_space<vmem>>
    %dma_wait3A_127 = tpu.memref_squeeze %dma_wait3A_126 : memref<1x128x64xf32, #tpu.memory_space<vmem>> -> memref<128x64xf32, #tpu.memory_space<vmem>>
    %dma_wait3A_128 = arith.constant 0 : i32
    %dma_wait3A_129 = arith.constant 0 : i32
    %dma_wait3A_130 = tpu.memref_slice %arg4[%mul3A_2, %dma_wait3A_128, %dma_wait3A_129] : memref<6400x128x64xf32, #tpu.memory_space<hbm>> -> memref<1x128x64xf32, #tpu.memory_space<hbm>>
    %dma_wait3A_131 = tpu.memref_squeeze %dma_wait3A_130 : memref<1x128x64xf32, #tpu.memory_space<hbm>> -> memref<128x64xf32, #tpu.memory_space<hbm>>
    %dma_wait3A_132 = arith.constant 0 : i32
    %dma_wait3A_133 = arith.constant 0 : i32
    %dma_wait3A_134 = tpu.memref_slice %arg4[%mul3A_2, %dma_wait3A_132, %dma_wait3A_133] : memref<6400x128x64xf32, #tpu.memory_space<hbm>> -> memref<1x128x64xf32, #tpu.memory_space<hbm>>
    %dma_wait3A_135 = tpu.memref_squeeze %dma_wait3A_134 : memref<1x128x64xf32, #tpu.memory_space<hbm>> -> memref<128x64xf32, #tpu.memory_space<hbm>>
    %dma_wait3A_136 = arith.constant 0 : i32
    %dma_wait3A_137 = arith.constant 0 : i32
    %dma_wait3A_138 = tpu.memref_slice %arg6[%dma_wait3A_123, %dma_wait3A_136, %dma_wait3A_137] : memref<8x128x64xf32, #tpu.memory_space<vmem>> -> memref<1x128x64xf32, #tpu.memory_space<vmem>>
    %dma_wait3A_139 = tpu.memref_squeeze %dma_wait3A_138 : memref<1x128x64xf32, #tpu.memory_space<vmem>> -> memref<128x64xf32, #tpu.memory_space<vmem>>
    tpu.wait_dma2 semaphore(%arg17 : memref<!tpu.dma_semaphore, #tpu.memory_space<semaphore_mem>>) src(%dma_wait3A_139 : memref<128x64xf32, #tpu.memory_space<vmem>>) dst(%dma_wait3A_135 : memref<128x64xf32, #tpu.memory_space<hbm>>)
    %dma_wait3A_140 = arith.constant 3 : i32
    %dma_wait3A_141 = arith.constant 0 : i32
    %dma_wait3A_142 = arith.constant 0 : i32
    %dma_wait3A_143 = tpu.memref_slice %arg6[%dma_wait3A_140, %dma_wait3A_141, %dma_wait3A_142] : memref<8x128x64xf32, #tpu.memory_space<vmem>> -> memref<1x128x64xf32, #tpu.memory_space<vmem>>
    %dma_wait3A_144 = tpu.memref_squeeze %dma_wait3A_143 : memref<1x128x64xf32, #tpu.memory_space<vmem>> -> memref<128x64xf32, #tpu.memory_space<vmem>>
    %dma_wait3A_145 = arith.constant 0 : i32
    %dma_wait3A_146 = arith.constant 0 : i32
    %dma_wait3A_147 = tpu.memref_slice %arg4[%mul3A_2, %dma_wait3A_145, %dma_wait3A_146] : memref<6400x128x64xf32, #tpu.memory_space<hbm>> -> memref<1x128x64xf32, #tpu.memory_space<hbm>>
    %dma_wait3A_148 = tpu.memref_squeeze %dma_wait3A_147 : memref<1x128x64xf32, #tpu.memory_space<hbm>> -> memref<128x64xf32, #tpu.memory_space<hbm>>
    %dma_wait3A_149 = arith.constant 0 : i32
    %dma_wait3A_150 = arith.constant 0 : i32
    %dma_wait3A_151 = tpu.memref_slice %arg4[%mul3A_2, %dma_wait3A_149, %dma_wait3A_150] : memref<6400x128x64xf32, #tpu.memory_space<hbm>> -> memref<1x128x64xf32, #tpu.memory_space<hbm>>
    %dma_wait3A_152 = tpu.memref_squeeze %dma_wait3A_151 : memref<1x128x64xf32, #tpu.memory_space<hbm>> -> memref<128x64xf32, #tpu.memory_space<hbm>>
    %dma_wait3A_153 = arith.constant 0 : i32
    %dma_wait3A_154 = arith.constant 0 : i32
    %dma_wait3A_155 = tpu.memref_slice %arg6[%dma_wait3A_140, %dma_wait3A_153, %dma_wait3A_154] : memref<8x128x64xf32, #tpu.memory_space<vmem>> -> memref<1x128x64xf32, #tpu.memory_space<vmem>>
    %dma_wait3A_156 = tpu.memref_squeeze %dma_wait3A_155 : memref<1x128x64xf32, #tpu.memory_space<vmem>> -> memref<128x64xf32, #tpu.memory_space<vmem>>
    tpu.wait_dma2 semaphore(%arg18 : memref<!tpu.dma_semaphore, #tpu.memory_space<semaphore_mem>>) src(%dma_wait3A_156 : memref<128x64xf32, #tpu.memory_space<vmem>>) dst(%dma_wait3A_152 : memref<128x64xf32, #tpu.memory_space<hbm>>)
    %dma_wait3A_157 = arith.constant 4 : i32
    %dma_wait3A_158 = arith.constant 0 : i32
    %dma_wait3A_159 = arith.constant 0 : i32
    %dma_wait3A_160 = tpu.memref_slice %arg6[%dma_wait3A_157, %dma_wait3A_158, %dma_wait3A_159] : memref<8x128x64xf32, #tpu.memory_space<vmem>> -> memref<1x128x64xf32, #tpu.memory_space<vmem>>
    %dma_wait3A_161 = tpu.memref_squeeze %dma_wait3A_160 : memref<1x128x64xf32, #tpu.memory_space<vmem>> -> memref<128x64xf32, #tpu.memory_space<vmem>>
    %dma_wait3A_162 = arith.constant 0 : i32
    %dma_wait3A_163 = arith.constant 0 : i32
    %dma_wait3A_164 = tpu.memref_slice %arg4[%mul3A_2, %dma_wait3A_162, %dma_wait3A_163] : memref<6400x128x64xf32, #tpu.memory_space<hbm>> -> memref<1x128x64xf32, #tpu.memory_space<hbm>>
    %dma_wait3A_165 = tpu.memref_squeeze %dma_wait3A_164 : memref<1x128x64xf32, #tpu.memory_space<hbm>> -> memref<128x64xf32, #tpu.memory_space<hbm>>
    %dma_wait3A_166 = arith.constant 0 : i32
    %dma_wait3A_167 = arith.constant 0 : i32
    %dma_wait3A_168 = tpu.memref_slice %arg4[%mul3A_2, %dma_wait3A_166, %dma_wait3A_167] : memref<6400x128x64xf32, #tpu.memory_space<hbm>> -> memref<1x128x64xf32, #tpu.memory_space<hbm>>
    %dma_wait3A_169 = tpu.memref_squeeze %dma_wait3A_168 : memref<1x128x64xf32, #tpu.memory_space<hbm>> -> memref<128x64xf32, #tpu.memory_space<hbm>>
    %dma_wait3A_170 = arith.constant 0 : i32
    %dma_wait3A_171 = arith.constant 0 : i32
    %dma_wait3A_172 = tpu.memref_slice %arg6[%dma_wait3A_157, %dma_wait3A_170, %dma_wait3A_171] : memref<8x128x64xf32, #tpu.memory_space<vmem>> -> memref<1x128x64xf32, #tpu.memory_space<vmem>>
    %dma_wait3A_173 = tpu.memref_squeeze %dma_wait3A_172 : memref<1x128x64xf32, #tpu.memory_space<vmem>> -> memref<128x64xf32, #tpu.memory_space<vmem>>
    tpu.wait_dma2 semaphore(%arg19 : memref<!tpu.dma_semaphore, #tpu.memory_space<semaphore_mem>>) src(%dma_wait3A_173 : memref<128x64xf32, #tpu.memory_space<vmem>>) dst(%dma_wait3A_169 : memref<128x64xf32, #tpu.memory_space<hbm>>)
    %dma_wait3A_174 = arith.constant 5 : i32
    %dma_wait3A_175 = arith.constant 0 : i32
    %dma_wait3A_176 = arith.constant 0 : i32
    %dma_wait3A_177 = tpu.memref_slice %arg6[%dma_wait3A_174, %dma_wait3A_175, %dma_wait3A_176] : memref<8x128x64xf32, #tpu.memory_space<vmem>> -> memref<1x128x64xf32, #tpu.memory_space<vmem>>
    %dma_wait3A_178 = tpu.memref_squeeze %dma_wait3A_177 : memref<1x128x64xf32, #tpu.memory_space<vmem>> -> memref<128x64xf32, #tpu.memory_space<vmem>>
    %dma_wait3A_179 = arith.constant 0 : i32
    %dma_wait3A_180 = arith.constant 0 : i32
    %dma_wait3A_181 = tpu.memref_slice %arg4[%mul3A_2, %dma_wait3A_179, %dma_wait3A_180] : memref<6400x128x64xf32, #tpu.memory_space<hbm>> -> memref<1x128x64xf32, #tpu.memory_space<hbm>>
    %dma_wait3A_182 = tpu.memref_squeeze %dma_wait3A_181 : memref<1x128x64xf32, #tpu.memory_space<hbm>> -> memref<128x64xf32, #tpu.memory_space<hbm>>
    %dma_wait3A_183 = arith.constant 0 : i32
    %dma_wait3A_184 = arith.constant 0 : i32
    %dma_wait3A_185 = tpu.memref_slice %arg4[%mul3A_2, %dma_wait3A_183, %dma_wait3A_184] : memref<6400x128x64xf32, #tpu.memory_space<hbm>> -> memref<1x128x64xf32, #tpu.memory_space<hbm>>
    %dma_wait3A_186 = tpu.memref_squeeze %dma_wait3A_185 : memref<1x128x64xf32, #tpu.memory_space<hbm>> -> memref<128x64xf32, #tpu.memory_space<hbm>>
    %dma_wait3A_187 = arith.constant 0 : i32
    %dma_wait3A_188 = arith.constant 0 : i32
    %dma_wait3A_189 = tpu.memref_slice %arg6[%dma_wait3A_174, %dma_wait3A_187, %dma_wait3A_188] : memref<8x128x64xf32, #tpu.memory_space<vmem>> -> memref<1x128x64xf32, #tpu.memory_space<vmem>>
    %dma_wait3A_190 = tpu.memref_squeeze %dma_wait3A_189 : memref<1x128x64xf32, #tpu.memory_space<vmem>> -> memref<128x64xf32, #tpu.memory_space<vmem>>
    tpu.wait_dma2 semaphore(%arg20 : memref<!tpu.dma_semaphore, #tpu.memory_space<semaphore_mem>>) src(%dma_wait3A_190 : memref<128x64xf32, #tpu.memory_space<vmem>>) dst(%dma_wait3A_186 : memref<128x64xf32, #tpu.memory_space<hbm>>)
    %dma_wait3A_191 = arith.constant 6 : i32
    %dma_wait3A_192 = arith.constant 0 : i32
    %dma_wait3A_193 = arith.constant 0 : i32
    %dma_wait3A_194 = tpu.memref_slice %arg6[%dma_wait3A_191, %dma_wait3A_192, %dma_wait3A_193] : memref<8x128x64xf32, #tpu.memory_space<vmem>> -> memref<1x128x64xf32, #tpu.memory_space<vmem>>
    %dma_wait3A_195 = tpu.memref_squeeze %dma_wait3A_194 : memref<1x128x64xf32, #tpu.memory_space<vmem>> -> memref<128x64xf32, #tpu.memory_space<vmem>>
    %dma_wait3A_196 = arith.constant 0 : i32
    %dma_wait3A_197 = arith.constant 0 : i32
    %dma_wait3A_198 = tpu.memref_slice %arg4[%mul3A_2, %dma_wait3A_196, %dma_wait3A_197] : memref<6400x128x64xf32, #tpu.memory_space<hbm>> -> memref<1x128x64xf32, #tpu.memory_space<hbm>>
    %dma_wait3A_199 = tpu.memref_squeeze %dma_wait3A_198 : memref<1x128x64xf32, #tpu.memory_space<hbm>> -> memref<128x64xf32, #tpu.memory_space<hbm>>
    %dma_wait3A_200 = arith.constant 0 : i32
    %dma_wait3A_201 = arith.constant 0 : i32
    %dma_wait3A_202 = tpu.memref_slice %arg4[%mul3A_2, %dma_wait3A_200, %dma_wait3A_201] : memref<6400x128x64xf32, #tpu.memory_space<hbm>> -> memref<1x128x64xf32, #tpu.memory_space<hbm>>
    %dma_wait3A_203 = tpu.memref_squeeze %dma_wait3A_202 : memref<1x128x64xf32, #tpu.memory_space<hbm>> -> memref<128x64xf32, #tpu.memory_space<hbm>>
    %dma_wait3A_204 = arith.constant 0 : i32
    %dma_wait3A_205 = arith.constant 0 : i32
    %dma_wait3A_206 = tpu.memref_slice %arg6[%dma_wait3A_191, %dma_wait3A_204, %dma_wait3A_205] : memref<8x128x64xf32, #tpu.memory_space<vmem>> -> memref<1x128x64xf32, #tpu.memory_space<vmem>>
    %dma_wait3A_207 = tpu.memref_squeeze %dma_wait3A_206 : memref<1x128x64xf32, #tpu.memory_space<vmem>> -> memref<128x64xf32, #tpu.memory_space<vmem>>
    tpu.wait_dma2 semaphore(%arg21 : memref<!tpu.dma_semaphore, #tpu.memory_space<semaphore_mem>>) src(%dma_wait3A_207 : memref<128x64xf32, #tpu.memory_space<vmem>>) dst(%dma_wait3A_203 : memref<128x64xf32, #tpu.memory_space<hbm>>)
    %dma_wait3A_208 = arith.constant 7 : i32
    %dma_wait3A_209 = arith.constant 0 : i32
    %dma_wait3A_210 = arith.constant 0 : i32
    %dma_wait3A_211 = tpu.memref_slice %arg6[%dma_wait3A_208, %dma_wait3A_209, %dma_wait3A_210] : memref<8x128x64xf32, #tpu.memory_space<vmem>> -> memref<1x128x64xf32, #tpu.memory_space<vmem>>
    %dma_wait3A_212 = tpu.memref_squeeze %dma_wait3A_211 : memref<1x128x64xf32, #tpu.memory_space<vmem>> -> memref<128x64xf32, #tpu.memory_space<vmem>>
    %dma_wait3A_213 = arith.constant 0 : i32
    %dma_wait3A_214 = arith.constant 0 : i32
    %dma_wait3A_215 = tpu.memref_slice %arg4[%mul3A_2, %dma_wait3A_213, %dma_wait3A_214] : memref<6400x128x64xf32, #tpu.memory_space<hbm>> -> memref<1x128x64xf32, #tpu.memory_space<hbm>>
    %dma_wait3A_216 = tpu.memref_squeeze %dma_wait3A_215 : memref<1x128x64xf32, #tpu.memory_space<hbm>> -> memref<128x64xf32, #tpu.memory_space<hbm>>
    %dma_wait3A_217 = arith.constant 0 : i32
    %dma_wait3A_218 = arith.constant 0 : i32
    %dma_wait3A_219 = tpu.memref_slice %arg4[%mul3A_2, %dma_wait3A_217, %dma_wait3A_218] : memref<6400x128x64xf32, #tpu.memory_space<hbm>> -> memref<1x128x64xf32, #tpu.memory_space<hbm>>
    %dma_wait3A_220 = tpu.memref_squeeze %dma_wait3A_219 : memref<1x128x64xf32, #tpu.memory_space<hbm>> -> memref<128x64xf32, #tpu.memory_space<hbm>>
    %dma_wait3A_221 = arith.constant 0 : i32
    %dma_wait3A_222 = arith.constant 0 : i32
    %dma_wait3A_223 = tpu.memref_slice %arg6[%dma_wait3A_208, %dma_wait3A_221, %dma_wait3A_222] : memref<8x128x64xf32, #tpu.memory_space<vmem>> -> memref<1x128x64xf32, #tpu.memory_space<vmem>>
    %dma_wait3A_224 = tpu.memref_squeeze %dma_wait3A_223 : memref<1x128x64xf32, #tpu.memory_space<vmem>> -> memref<128x64xf32, #tpu.memory_space<vmem>>
    tpu.wait_dma2 semaphore(%arg22 : memref<!tpu.dma_semaphore, #tpu.memory_space<semaphore_mem>>) src(%dma_wait3A_224 : memref<128x64xf32, #tpu.memory_space<vmem>>) dst(%dma_wait3A_220 : memref<128x64xf32, #tpu.memory_space<hbm>>)
    return
  }
}

</mosaic_0001>

<sc_bundles>
// kernel: _embed.3.cloned.1.call-start
scs
__scs_entry_jumppad:
0x0: {  	(pc) =	sbr.rel $0x88, $3  }
0x1: {  	(tag) =	ssettag $0x0;
	lr =	simm.s32 $0x1  }
0x2: {  	[smem:$0x3F9F] =	sst lr;
	_ =	strace $0xD0000000  }
0x3: {  	_ = 	snop  }
0x4: {  	_ = 	snop  }
0x5: {  	_ = 	snop  }
0x6: {  	_ = 	snop  }
0x7: {  	_ = 	snop  }
__scs_overlays_trampoline_lowered:
0x8: {  	[smem:$0x3FAE] =	sst s0  }
0x9: {  	[smem:$0x3FAF] =	sst s1  }
0xa: {  	[smem:$0x3FB0] =	sst s2  }
0xb: {  	[smem:$0x3FB1] =	sst s3  }
0xc: {  	[smem:$0x3FB2] =	sst s4  }
0xd: {  	[smem:$0x3FB3] =	sst s5  }
0xe: {  	[smem:$0x3FB4] =	sst s6  }
0xf: {  	[smem:$0x3FB5] =	sst s7  }
0x10: {  	[smem:$0x3FB6] =	sst s8  }
0x11: {  	[smem:$0x3FB7] =	sst s9;
	s0 =	simm.s32 @!p0 $0x0  }
0x12: {  	s1 =	sld [smem:$0x3F9D];
	s0 =	simm.s32 @p0 $0x1  }
0x13: {  	[smem:$0x3FB8] =	sst s0;
	s0 =	simm.s32 @!p1 $0x0  }
0x14: {  	s2 =	sld [smem:$0x3F9C];
	s0 =	simm.s32 @p1 $0x1  }
0x15: {  	[smem:$0x3FB9] =	sst s0;
	s0 =	simm.s32 @!p2 $0x0  }
0x16: {  	s3 =	sld [smem:$0x3FDB];
	s0 =	simm.s32 @p2 $0x1  }
0x17: {  	s4 =	simm.s32 $0x1BF5;
	[smem:$0x3FBB] =	sst s0  }
0x18: {  	s0 =	sld [smem:$0x3F9E];
	_ =	swait.ge [sflag:s4], $0x0  }
0x19: {  	s7 =	sld [smem:$0x3F9F]  }
0x1a: {  	s8 =	sadd.s32 $0xFFFFE003, lr  }
0x1b: {  	s9 =	sadd.s32 $0xFFFFFEF7, lr;
	s5 =	simm.s32 $0xFFFFFFFF;
	p2 =	slt.u32 s8, $0xFFFFF086  }
0x1c: {  	p1 =	slt.u32 s9, $0xF7A;
	s5 =	simm.s32 @!p2 $0x0  }
0x1d: {  	s5 =	simm.s32 @p1 $0x1;
	p0 =	seq.s32 s7, s2  }
0x1e: {  	s7 =	smul.u32 @!p0 $0xF7A, s2;
	p2 =	seq.s32 @!p0 s5, $0x0  }
0x1f: {  	s9 =	smul.u32 $0xF7A, s1;
	s8 =	simm.s32 @!p0 $0x1BF5;
	p2 =	por !p2, p0  }
0x20: {  	[sflag:s8] =	ssyncset.s32 @!p0 $0xFFFFF086;
	s6 =	sadd.s32 @!p0 s3, s7;
	s7 =	simm.s32 @!p0 $0x108  }
0x21: {  	s3 =	sadd.s32 s3, s9;
	s6 =	sadd.s32 @!p0 $0x88, s6;
	s7 =	simm.s32 @p2 $0x1082  }
0x22: {  	[simem:s7], [sflag:s8] =	dma.local @!p0 [hbm:s6], $0xF7A  }
0x23: {  	s9 =	sor.u32 $0xD0000000, s2;
	s6 =	simm.s32 $0x108;
	_ =	swait.ge @!p0 [sflag:s8], $0x0  }
0x24: {  	s3 =	sadd.s32 $0x88, s3;
	s6 =	simm.s32 @!p1 $0x1082;
	[sflag:s4] =	ssyncset.s32 $0xFFFFF086  }
0x25: {  	[simem:s6], [sflag:s4] =	dma.local [hbm:s3], $0xF7A  }
0x26: {  	[smem:$0x3F9F] =	sst s1;
	(tag) =	ssettag s2;
	_ =	strace s9  }
0x27: {  	s1 =	sld [smem:$0x3FAF]  }
0x28: {  	s2 =	sld [smem:$0x3FB0]  }
0x29: {  	s4 =	sld [smem:$0x3FB2]  }
0x2a: {  	p0 =	seq.s32 s5, $0x0;
	s5 =	sld [smem:$0x3FB3]  }
0x2b: {  	s6 =	sld [smem:$0x3FB4]  }
0x2c: {  	s7 =	sld [smem:$0x3FB5]  }
0x2d: {  	s3 =	simm.s32 $0x108;
	s8 =	sld [smem:$0x3FB6]  }
0x2e: {  	s3 =	simm.s32 @!p0 $0x1082;
	s9 =	sld [smem:$0x3FB7]  }
0x2f: {  	lr =	sadd.s32 s0, s3;
	s0 =	sld [smem:$0x3FAE]  }
0x30: {  	s3 =	sld [smem:$0x3FB1]  }
0x31: {  	[smem:$0x3FBA] =	sst s10  }
0x32: {  	s10 =	sld [smem:$0x3FB8];
	_ =	sdelay $0x3  }
0x33: {  	p0 =	seq.s32 s10, $0x1;
	s10 =	sld [smem:$0x3FBA];
	_ =	sdelay $0x3  }
0x34: {  	[smem:$0x3FBA] =	sst s10  }
0x35: {  	s10 =	sld [smem:$0x3FB9];
	_ =	sdelay $0x3  }
0x36: {  	p1 =	seq.s32 s10, $0x1;
	s10 =	sld [smem:$0x3FBA];
	_ =	sdelay $0x3  }
0x37: {  	[smem:$0x3FBA] =	sst s10  }
0x38: {  	s10 =	sld [smem:$0x3FBB]  }
0x39: {  	_ = 	snop;
	(pc) =	sbr.ind lr, $3  }
0x3a: {  	_ = 	snop  }
0x3b: {  	_ = 	snop  }
0x3c: {  	p2 =	seq.s32 s10, $0x1;
	s10 =	sld [smem:$0x3FBA]  }
0x3d: {  	_ =	shalt  }
0x3e: {  	_ =	shalt  }
0x3f: {  	_ =	shalt  }
0x40: {  	_ =	shalt  }
0x41: {  	_ =	shalt  }
0x42: {  	_ =	shalt  }
0x43: {  	_ =	shalt  }
0x44: {  	_ =	shalt  }
0x45: {  	_ =	shalt  }
0x46: {  	_ =	shalt  }
0x47: {  	_ =	shalt  }
0x48: {  	_ =	shalt  }
0x49: {  	_ =	shalt  }
0x4a: {  	_ =	shalt  }
0x4b: {  	_ =	shalt  }
0x4c: {  	_ =	shalt  }
0x4d: {  	_ =	shalt  }
0x4e: {  	_ =	shalt  }
0x4f: {  	_ =	shalt  }
0x50: {  	_ =	shalt  }
0x51: {  	_ =	shalt  }
0x52: {  	_ =	shalt  }
0x53: {  	_ =	shalt  }
0x54: {  	_ =	shalt  }
0x55: {  	_ =	shalt  }
0x56: {  	_ =	shalt  }
0x57: {  	_ =	shalt  }
0x58: {  	_ =	shalt  }
0x59: {  	_ =	shalt  }
0x5a: {  	_ =	shalt  }
0x5b: {  	_ =	shalt  }
0x5c: {  	_ =	shalt  }
0x5d: {  	_ =	shalt  }
0x5e: {  	_ =	shalt  }
0x5f: {  	_ =	shalt  }
0x60: {  	_ =	shalt  }
0x61: {  	_ =	shalt  }
0x62: {  	_ =	shalt  }
0x63: {  	_ =	shalt  }
0x64: {  	_ =	shalt  }
0x65: {  	_ =	shalt  }
0x66: {  	_ =	shalt  }
0x67: {  	_ =	shalt  }
0x68: {  	_ =	shalt  }
0x69: {  	_ =	shalt  }
0x6a: {  	_ =	shalt  }
0x6b: {  	_ =	shalt  }
0x6c: {  	_ =	shalt  }
0x6d: {  	_ =	shalt  }
0x6e: {  	_ =	shalt  }
0x6f: {  	_ =	shalt  }
0x70: {  	_ =	shalt  }
0x71: {  	_ =	shalt  }
0x72: {  	_ =	shalt  }
0x73: {  	_ =	shalt  }
0x74: {  	_ =	shalt  }
0x75: {  	_ =	shalt  }
0x76: {  	_ =	shalt  }
0x77: {  	_ =	shalt  }
0x78: {  	_ =	shalt  }
0x79: {  	_ =	shalt  }
0x7a: {  	_ =	shalt  }
0x7b: {  	_ =	shalt  }
0x7c: {  	_ =	shalt  }
0x7d: {  	_ =	shalt  }
0x7e: {  	_ =	shalt  }
0x7f: {  	_ =	shalt  }
0x80: {  	_ =	shalt  }
0x81: {  	_ =	shalt  }
0x82: {  	_ =	shalt  }
0x83: {  	_ =	shalt  }
0x84: {  	_ =	shalt  }
0x85: {  	_ =	shalt  }
0x86: {  	_ =	shalt  }
0x87: {  	_ =	shalt  }
.Lfunc_end0:
.L_simem_size_0:
called_computation.1_lowered:
.L_overlay_start_0:
0x88: {  	s2 =	sld [smem:$0x3FD9]  }
0x89: {  	s3 =	sld [smem:$0x3FFE];
	_ =	sdelay $0x1  }
0x8a: {  	s1 =	srdreg.scid  }
0x8b: {  	s0 =	sand.u32 $0x1, s1  }
0x8c: {  	s17 =	sshll.u32 s0, $0xA;
	s2 =	sadd.s32 s3, s2  }
0x8d: {  	s2 =	sadd.s32 s2, s17  }
0x8e: {  	[smem:$0x3FC6] =	sst s2  }
0x8f: {  	_ = 	snop  }
0x90: {  	s2 =	sld [smem:$0x3FC9]  }
0x91: {  	s18 =	sld [smem:$0x3FD0];
	(tm) =	ssettm $0x1  }
0x92: {  	s4 =	sld [smem:$0x3FFB];
	_ =	sdelay $0x3  }
0x93: {  	_ =	strace s4  }
0x94: {  	s4 =	sld [smem:$0x3FFC];
	_ =	sdelay $0x3  }
0x95: {  	_ =	strace s4  }
0x96: {  	s4 =	sld [smem:$0x3FFD];
	_ =	sdelay $0x3  }
0x97: {  	_ =	strace s4  }
0x98: {  	_ =	strace $0x8FFFFFFF  }
0x99: {  	s19 =	sld [smem:$0x3FDB];
	_ =	sdelay $0x1  }
0x9a: {  	s5 =	simm.s32 $_scs_section_size  }
0x9b: {  	s6 =	simm.s32 $_size__tile_overlayer_lowered;
	s7 =	simm.s32 $_tile_overlayer_lowered  }
0x9c: {  	s22 =	simm.s32 $0x1BFF;
	s21 =	sshll.u32 s7, $0x1;
	s4 =	sadd.s32 s5, s19  }
0x9d: {  	s8 =	simm.s32 $0x0;
	s20 =	sshll.u32 s6, $0x1;
	s6 =	sadd.s32 s21, s4  }
0x9e: {  	[timem:s8], [sflag:s22] =	dma.local [hbm:s6], s20  }
0x9f: {  	_ =	swait.ge [sflag:s22], s20  }
0xa0: {  	s5 =	ssub.s32 $0x0, s20;
	[sflag:s22] =	ssyncset.done $0x0  }
0xa1: {  	[sflag:s22] =	ssyncadd.s32 s5;
	_ =	sdelay $0x1  }
0xa2: {  	s23 =	simm.s32 $0x1B8B  }
0xa3: {  	_ =	swait.ge [sflag:s23], $0x1  }
0xa4: {  	[sflag:s23] =	ssyncset.done $0x0  }
0xa5: {  	s25 =	simm.s32 $0x1B8E;
	s24 =	sld [smem:$0x3FFE];
	[sflag:s23] =	ssyncadd.s32 $0xFFFFFFFF  }
0xa6: {  	s26 =	simm.s32 $execute0_lowered;
	[smem:$0x3FD2] =	sst s25  }
0xa7: {  	s6 =	sshll.u32 s26, $0x1;
	_ =	strace $0x80000046;
	[dreg:$0x1] =	wrdreg $0xFFFFFFFF  }
0xa8: {  	s28 =	simm.s32 $_size_execute0_lowered;
	s4 =	sadd.s32 s4, s6;
	[dreg:$0x0] =	wrdreg $0x0  }
0xa9: {  	s6 =	sshll.u32 s28, $0x1;
	[dreg:$0x2] =	wrdreg s4  }
0xaa: {  	[dreg:$0x3] =	wrdreg s6  }
0xab: {  	[dreg:$0x4] =	wrdreg $0xC0  }
0xac: {  	_ =	task [dreg:s8], $0x5FFFF  }
0xad: {  	[dreg:$0x1] =	wrdreg $0xFFFFFFFF  }
0xae: {  	[dreg:$0x0] =	wrdreg $0x60  }
0xaf: {  	[dreg:$0x2] =	wrdreg s2  }
0xb0: {  	[dreg:$0x3] =	wrdreg s24  }
0xb1: {  	[dreg:$0x4] =	wrdreg s18  }
0xb2: {  	[dreg:$0x5] =	wrdreg $0x9  }
0xb3: {  	_ =	task.clear_ibuf [dreg:s8], $0x6FFFF;
	_ =	strace $0x90000046  }
0xb4: {  	s29 =	simm.s32 $0x9;
	_ =	strace $0x80000048  }
0xb5: {  	_ =	swait.ge [sflag:s29], $0x1  }
0xb6: {  	[sflag:s29] =	ssyncadd.s32 $0xFFFFFFFF  }
0xb7: {  	_ =	strace $0x90000048  }
0xb8: {  	_ =	sfence  }
0xb9: {  	s30 =	sld [smem:$0x0];
	_ =	sdelay $0x2  }
0xba: {  	s31 =	sshll.u32 s1, $0xD;
	s1 =	sshrl.u32 s1, $0x2  }
0xbb: {  	s3 =	sand.u32 $0x4000, s31;
	s1 =	sadd.s32 s1, s30  }
0xbc: {  	s0 =	sor.u32 s3, s0;
	s1 =	sshll.u32 s1, $0x11  }
0xbd: {  	s0 =	sor.u32 s1, s0  }
0xbe: {  	s0 =	sadd.s32 $0x8F2B, s0  }
0xbf: {  	[sflag:s0] =	ssyncadd.remote.s32 $0x1  }
0xc0: {  	_ =	sfence.sel $0xFFFF  }
0xc1: {  	[dreg:$0x0] =	wrdreg $0xFFFFFFFF;
	(pc) =	sbr.abs _section_cstart, $3  }
0xc2: {  	[dreg:$0x1] =	wrdreg $0xFFFFFFFF  }
0xc3: {  	_ =	task.clear_ibuf [dreg:s8], $0x2FFFF;
	_ =	strace $0x9FFFFFFF  }
0xc4: {  	(tm) =	ssettm $0x7FFFFFFF  }
0xc5: {  	_ =	shalt  }
tec
execute0_lowered:
.L_overlay_start_1:
0x0: {  	(tag) =	ssettag $0x1  }
0x1: {  	s0 =	rddreg [dreg:$0x0]  }
0x2: {  	s1 =	rddreg [dreg:$0x1]  }
0x3: {  	s2 =	srdreg.scid;
	s8 =	stileid.u32;
	s3 =	simm.s32 $0x0  }
0x4: {  	s28 =	simm.s32 $0x5;
	s29 =	simm.s32 $0x6;
	s30 =	simm.s32 $0x7  }
0x5: {  	s31 =	simm.s32 $0x8;
	s15 =	simm.s32 $0x80;
	s5 =	smul.u32 $0x190, s8  }
0x6: {  	s2 =	sand.u32 $0x1, s2;
	s20 =	sshll.u32 s8, $0x1;
	s8 =	smul.u32 $0x64000, s8  }
0x7: {  	[smem:$0x7FF] =	sst s3;
	s4 =	sadd.s32 $0xF42C00, s1;
	s6 =	smul.u32 $0xC8, s2  }
0x8: {  	s7 =	ssub.s32 $0x2, s2;
	s1 =	sor.u32 s2, s20;
	s2 =	smul.u32 $0x32000, s2  }
0x9: {  	s17 =	simm.s32 $0x6400;
	_ =	strace $0x80000047;
	s1 =	smul.u32 $0xC80, s1  }
0xa: {  	s21 =	sshrl.u32 s7, $0x1;
	s5 =	sadd.s32 s6, s5;
	s26 =	sadd.s32 s2, s8  }
0xb: {  	s6 =	ssub.s32 s7, s21;
	s0 =	sadd.s32 s0, s1;
	[dreg:$0x7] =	wrdreg s26  }
0xc: {  	s5 =	sshll.u32 s5, $0xA;
	s25 =	smax.u32 s6, $0x1;
	[dreg:$0x8] =	wrdreg s0  }
0xd: {  	s19 =	simm.s32 $0x12400;
	s22 =	sor.u32 $0x1800, s5;
	[dreg:$0x9] =	wrdreg s25  }
0xe: {  	s2 =	simm.s32 $0x0;
	s23 =	sor.u32 $0x1000, s5;
	[dreg:$0x4] =	wrdreg s22  }
0xf: {  	s21 =	simm.s32 $0xA400;
	s24 =	sor.u32 $0x800, s5;
	[dreg:$0x5] =	wrdreg s23  }
0x10: {  	s26 =	simm.s32 $0x4;
	s25 =	simm.s32 $0x3;
	[dreg:$0x6] =	wrdreg s24  }
0x11: {  	s22 =	simm.s32 $0x14400;
	s23 =	simm.s32 $0x1;
	s24 =	simm.s32 $0x2  }
.LBB2_1:
0x12: {  	[dreg:$0xa] =	wrdreg s2  }
0x13: {  	s0 =	rddreg [dreg:$0x8];
	s6 =	simm.s32 $0x11  }
0x14: {  	[tilespmem:s3], [sflag:$0x11] =	stream.linear.gather [hbm4b:s0+s3], $0x6400, $0x38;
	[tilespmem:$0x16400] =	vst v63  }
0x15: {  	_ =	swait.ge [sflag:s6], $0x6400  }
0x16: {  	[sflag:s6] =	ssyncset.done $0x0  }
0x17: {  	s7 =	simm.s32 $0x80;
	[sflag:s6] =	ssyncadd.s32 $0xFFFF9C00;
	s6 =	simm.s32 $0x6400  }
0x18: {  	[tilespmem:s6], [sflag:$0x1] =	stream.indirect.gather [hbm4b:s4+s7], $0x40, s3, s7, $0xb8;
	[tilespmem:$0x16400] =	vst v63  }
0x19: {  	s8 =	simm.s32 $0x8400  }
0x1a: {  	[tilespmem:s8], [sflag:$0x2] =	stream.indirect.gather [hbm4b:s4+s7], $0x40, s7, s7, $0xb8;
	[tilespmem:$0x16400] =	vst v63  }
0x1b: {  	s11 =	simm.s32 $0x100;
	s9 =	simm.s32 $0xA400  }
0x1c: {  	[tilespmem:s9], [sflag:$0x3] =	stream.indirect.gather [hbm4b:s4+s7], $0x40, s11, s7, $0xb8;
	[tilespmem:$0x16400] =	vst v63  }
0x1d: {  	s12 =	simm.s32 $0x180;
	s10 =	simm.s32 $0xC400  }
0x1e: {  	[tilespmem:s10], [sflag:$0x4] =	stream.indirect.gather [hbm4b:s4+s7], $0x40, s12, s7, $0xb8;
	[tilespmem:$0x16400] =	vst v63  }
0x1f: {  	s13 =	simm.s32 $0x200;
	s11 =	simm.s32 $0xE400  }
0x20: {  	[tilespmem:s11], [sflag:$0x5] =	stream.indirect.gather [hbm4b:s4+s7], $0x40, s13, s7, $0xb8;
	[tilespmem:$0x16400] =	vst v63  }
0x21: {  	s14 =	simm.s32 $0x280;
	p0 =	por $0x1, $0x1;
	s12 =	simm.s32 $0x10400  }
0x22: {  	[tilespmem:s12], [sflag:$0x6] =	stream.indirect.gather [hbm4b:s4+s7], $0x40, s14, s7, $0xb8;
	[tilespmem:$0x16400] =	vst v63  }
0x23: {  	s16 =	simm.s32 $0x300;
	s0 =	simm.s32 @!p0 $0x10;
	s13 =	simm.s32 $0x12400  }
0x24: {  	[tilespmem:s13], [sflag:$0x7] =	stream.indirect.gather [hbm4b:s4+s7], $0x40, s16, s7, $0xb8;
	[tilespmem:$0x16400] =	vst v63  }
0x25: {  	_ =	swait.ge @!p0 [sflag:s0], $0x2000  }
0x26: {  	[sflag:s0] =	ssyncset.done @!p0 $0x0  }
0x27: {  	s1 =	simm.s32 $0x380;
	[sflag:s0] =	ssyncadd.s32 @!p0 $0xFFFFE000  }
0x28: {  	[tilespmem:s22], [sflag:$0x8] =	stream.indirect.gather [hbm4b:s4+s7], $0x40, s1, s7, $0xb8;
	[tilespmem:$0x16400] =	vst v63  }
0x29: {  	_ =	swait.ge [sflag:s23], $0x2000  }
0x2a: {  	[sflag:s23] =	ssyncset.done $0x0  }
0x2b: {  	s18 =	rddreg [dreg:$0x7];
	[sflag:s23] =	ssyncadd.s32 $0xFFFFE000  }
0x2c: {  	p0 =	por $0x0, $0x0;
	s7 =	rddreg [dreg:$0x2]  }
0x2d: {  	s1 =	simm.s32 @!p0 $0x9;
	s0 =	sadd.s32 s7, s18  }
0x2e: {  	[hbm4b:s0+s3] =	stream.linear.scatter [tilespmem:s6], [sflag:$0x9], $0x2000, $0x38;
	[tilespmem:$0x16400] =	vst v63  }
0x2f: {  	_ =	swait.ge @!p0 [sflag:s1], $0x2000  }
0x30: {  	s2 =	simm.s32 @!p0 $0x400;
	[sflag:s1] =	ssyncset.done @!p0 $0x0  }
0x31: {  	s0 =	simm.s32 @!p0 $0x80;
	s6 =	simm.s32 @!p0 $0x6400;
	[sflag:s1] =	ssyncadd.s32 @!p0 $0xFFFFE000  }
0x32: {  	[tilespmem:s6], [sflag:$0x1] =	stream.indirect.gather @!p0 [hbm4b:s4+s0], $0x40, s2, s0, $0xb8;
	[tilespmem:$0x16400] =	vst v63  }
0x33: {  	_ =	swait.ge [sflag:s24], $0x2000  }
0x34: {  	s6 =	sadd.s32 s7, s5;
	[sflag:s24] =	ssyncset.done $0x0  }
0x35: {  	s2 =	simm.s32 @!p0 $0xA;
	s20 =	sadd.s32 $0x400, s6;
	[sflag:s24] =	ssyncadd.s32 $0xFFFFE000  }
0x36: {  	[hbm4b:s20+s3] =	stream.linear.scatter [tilespmem:s8], [sflag:$0xA], $0x2000, $0x38;
	[tilespmem:$0x16400] =	vst v63  }
0x37: {  	_ =	swait.ge @!p0 [sflag:s2], $0x2000  }
0x38: {  	[sflag:s2] =	ssyncset.done @!p0 $0x0  }
0x39: {  	s1 =	simm.s32 @!p0 $0x480;
	[sflag:s2] =	ssyncadd.s32 @!p0 $0xFFFFE000;
	s2 =	simm.s32 @!p0 $0x8400  }
0x3a: {  	[tilespmem:s2], [sflag:$0x2] =	stream.indirect.gather @!p0 [hbm4b:s4+s0], $0x40, s1, s0, $0xb8;
	[tilespmem:$0x16400] =	vst v63  }
0x3b: {  	_ =	swait.ge [sflag:s25], $0x2000  }
0x3c: {  	s8 =	rddreg [dreg:$0x6];
	[sflag:s25] =	ssyncset.done $0x0  }
0x3d: {  	s2 =	simm.s32 @!p0 $0xB;
	[sflag:s25] =	ssyncadd.s32 $0xFFFFE000;
	s1 =	sadd.s32 s7, s8  }
0x3e: {  	[hbm4b:s1+s3] =	stream.linear.scatter [tilespmem:s9], [sflag:$0xB], $0x2000, $0x38;
	[tilespmem:$0x16400] =	vst v63  }
0x3f: {  	_ =	swait.ge @!p0 [sflag:s2], $0x2000  }
0x40: {  	[sflag:s2] =	ssyncset.done @!p0 $0x0  }
0x41: {  	s1 =	simm.s32 @!p0 $0x500;
	[sflag:s2] =	ssyncadd.s32 @!p0 $0xFFFFE000;
	s2 =	simm.s32 @!p0 $0xA400  }
0x42: {  	[tilespmem:s2], [sflag:$0x3] =	stream.indirect.gather @!p0 [hbm4b:s4+s0], $0x40, s1, s0, $0xb8;
	[tilespmem:$0x16400] =	vst v63  }
0x43: {  	_ =	swait.ge [sflag:s26], $0x2000  }
0x44: {  	[sflag:s26] =	ssyncset.done $0x0  }
0x45: {  	s14 =	sadd.s32 $0xC00, s6;
	s2 =	simm.s32 @!p0 $0xC;
	[sflag:s26] =	ssyncadd.s32 $0xFFFFE000  }
0x46: {  	[hbm4b:s14+s3] =	stream.linear.scatter [tilespmem:s10], [sflag:$0xC], $0x2000, $0x38;
	[tilespmem:$0x16400] =	vst v63  }
0x47: {  	_ =	swait.ge @!p0 [sflag:s2], $0x2000  }
0x48: {  	[sflag:s2] =	ssyncset.done @!p0 $0x0  }
0x49: {  	s1 =	simm.s32 @!p0 $0x580;
	[sflag:s2] =	ssyncadd.s32 @!p0 $0xFFFFE000;
	s2 =	simm.s32 @!p0 $0xC400  }
0x4a: {  	[tilespmem:s2], [sflag:$0x4] =	stream.indirect.gather @!p0 [hbm4b:s4+s0], $0x40, s1, s0, $0xb8;
	[tilespmem:$0x16400] =	vst v63  }
0x4b: {  	_ =	swait.ge [sflag:s28], $0x2000  }
0x4c: {  	s16 =	rddreg [dreg:$0x5];
	[sflag:s28] =	ssyncset.done $0x0  }
0x4d: {  	s2 =	simm.s32 @!p0 $0xD;
	[sflag:s28] =	ssyncadd.s32 $0xFFFFE000;
	s1 =	sadd.s32 s7, s16  }
0x4e: {  	[hbm4b:s1+s3] =	stream.linear.scatter [tilespmem:s11], [sflag:$0xD], $0x2000, $0x38;
	[tilespmem:$0x16400] =	vst v63  }
0x4f: {  	_ =	swait.ge @!p0 [sflag:s2], $0x2000  }
0x50: {  	[sflag:s2] =	ssyncset.done @!p0 $0x0  }
0x51: {  	s1 =	simm.s32 @!p0 $0x600;
	[sflag:s2] =	ssyncadd.s32 @!p0 $0xFFFFE000;
	s2 =	simm.s32 @!p0 $0xE400  }
0x52: {  	[tilespmem:s2], [sflag:$0x5] =	stream.indirect.gather @!p0 [hbm4b:s4+s0], $0x40, s1, s0, $0xb8;
	[tilespmem:$0x16400] =	vst v63  }
0x53: {  	_ =	swait.ge [sflag:s29], $0x2000  }
0x54: {  	[sflag:s29] =	ssyncset.done $0x0  }
0x55: {  	s18 =	sadd.s32 $0x1400, s6;
	s2 =	simm.s32 @!p0 $0xE;
	[sflag:s29] =	ssyncadd.s32 $0xFFFFE000  }
0x56: {  	[hbm4b:s18+s3] =	stream.linear.scatter [tilespmem:s12], [sflag:$0xE], $0x2000, $0x38;
	[tilespmem:$0x16400] =	vst v63  }
0x57: {  	_ =	swait.ge @!p0 [sflag:s2], $0x2000  }
0x58: {  	[sflag:s2] =	ssyncset.done @!p0 $0x0  }
0x59: {  	s1 =	simm.s32 @!p0 $0x680;
	[sflag:s2] =	ssyncadd.s32 @!p0 $0xFFFFE000;
	s2 =	simm.s32 @!p0 $0x10400  }
0x5a: {  	[tilespmem:s2], [sflag:$0x6] =	stream.indirect.gather @!p0 [hbm4b:s4+s0], $0x40, s1, s0, $0xb8;
	[tilespmem:$0x16400] =	vst v63  }
0x5b: {  	_ =	swait.ge [sflag:s30], $0x2000  }
0x5c: {  	s20 =	rddreg [dreg:$0x4];
	[sflag:s30] =	ssyncset.done $0x0  }
0x5d: {  	s2 =	simm.s32 @!p0 $0xF;
	[sflag:s30] =	ssyncadd.s32 $0xFFFFE000;
	s1 =	sadd.s32 s7, s20  }
0x5e: {  	[hbm4b:s1+s3] =	stream.linear.scatter [tilespmem:s13], [sflag:$0xF], $0x2000, $0x38;
	[tilespmem:$0x16400] =	vst v63  }
0x5f: {  	p1 =	por $0x0, $0x0;
	_ =	swait.ge @!p0 [sflag:s2], $0x2000  }
0x60: {  	s8 =	sadd.s32 $0x2000, s7;
	s12 =	sadd.s32 $0x1C00, s6;
	[sflag:s2] =	ssyncset.done @!p0 $0x0  }
0x61: {  	s1 =	simm.s32 @!p0 $0x700;
	[sflag:s2] =	ssyncadd.s32 @!p0 $0xFFFFE000;
	s2 =	simm.s32 @!p0 $0x12400  }
0x62: {  	[tilespmem:s2], [sflag:$0x7] =	stream.indirect.gather @!p0 [hbm4b:s4+s0], $0x40, s1, s0, $0xb8;
	[tilespmem:$0x16400] =	vst v63  }
0x63: {  	s1 =	simm.s32 $0x1000;
	s0 =	simm.s32 $0x2000;
	_ =	swait.ge [sflag:s31], $0x2000  }
.LBB2_2:
0x64: {  	[sflag:s31] =	ssyncset.done $0x0  }
0x65: {  	s2 =	simm.s32 @!p1 $0x10;
	[sflag:s31] =	ssyncadd.s32 $0xFFFFE000  }
0x66: {  	[hbm4b:s12+s3] =	stream.linear.scatter [tilespmem:s22], [sflag:$0x10], $0x2000, $0x38;
	[tilespmem:$0x16400] =	vst v63  }
0x67: {  	_ =	swait.ge @!p1 [sflag:s2], $0x2000  }
0x68: {  	s6 =	sshra.s32 s1, $0x2;
	[sflag:s2] =	ssyncset.done @!p1 $0x0  }
0x69: {  	s6 =	sadd.s32 $0x380, s6;
	[sflag:s2] =	ssyncadd.s32 @!p1 $0xFFFFE000  }
0x6a: {  	[tilespmem:s22], [sflag:$0x8] =	stream.indirect.gather [hbm4b:s4+s15], $0x40, s6, s15, $0xb8;
	[tilespmem:$0x16400] =	vst v63  }
0x6b: {  	s18 =	sadd.s32 s8, s5;
	p1 =	seq.s32 s1, $0x18000;
	_ =	swait.ge [sflag:s23], $0x2000  }
0x6c: {  	s6 =	simm.s32 @!p1 $0x9;
	s9 =	rddreg [dreg:$0x7];
	[sflag:s23] =	ssyncset.done $0x0  }
0x6d: {  	s1 =	sshra.s32 @!p1 s1, $0x2;
	[sflag:s23] =	ssyncadd.s32 $0xFFFFE000;
	s2 =	sadd.s32 s8, s9  }
0x6e: {  	[hbm4b:s2+s3] =	stream.linear.scatter [tilespmem:s17], [sflag:$0x9], $0x2000, $0x38;
	[tilespmem:$0x16400] =	vst v63  }
0x6f: {  	s14 =	simm.s32 @!p1 $0x80;
	s16 =	simm.s32 @!p1 $0x6400;
	_ =	swait.ge @!p1 [sflag:s6], $0x2000  }
0x70: {  	s13 =	simm.s32 @!p1 $0xA;
	s12 =	sadd.s32 @!p1 $0x400, s1;
	[sflag:s6] =	ssyncset.done @!p1 $0x0  }
0x71: {  	s10 =	sadd.s32 @!p1 $0x480, s1;
	s11 =	sadd.s32 @!p1 $0x500, s1;
	[sflag:s6] =	ssyncadd.s32 @!p1 $0xFFFFE000  }
0x72: {  	[tilespmem:s16], [sflag:$0x1] =	stream.indirect.gather @!p1 [hbm4b:s4+s14], $0x40, s12, s14, $0xb8;
	[tilespmem:$0x16400] =	vst v63  }
0x73: {  	s20 =	sadd.s32 @!p1 $0x680, s1;
	s9 =	sadd.s32 $0x400, s18;
	_ =	swait.ge [sflag:s24], $0x2000  }
0x74: {  	s2 =	sadd.s32 @!p1 $0x580, s1;
	s6 =	sadd.s32 @!p1 $0x600, s1;
	[sflag:s24] =	ssyncset.done $0x0  }
0x75: {  	s16 =	sadd.s32 @!p1 $0x700, s1;
	s1 =	simm.s32 $0x8400;
	[sflag:s24] =	ssyncadd.s32 $0xFFFFE000  }
0x76: {  	[hbm4b:s9+s3] =	stream.linear.scatter [tilespmem:s1], [sflag:$0xA], $0x2000, $0x38;
	[tilespmem:$0x16400] =	vst v63  }
0x77: {  	_ =	swait.ge @!p1 [sflag:s13], $0x2000  }
0x78: {  	s7 =	smov.u32 s0;
	[sflag:s13] =	ssyncset.done @!p1 $0x0  }
0x79: {  	s1 =	smov.u32 s7;
	s7 =	simm.s32 @!p1 $0x8400;
	[sflag:s13] =	ssyncadd.s32 @!p1 $0xFFFFE000  }
0x7a: {  	[tilespmem:s7], [sflag:$0x2] =	stream.indirect.gather @!p1 [hbm4b:s4+s14], $0x40, s10, s14, $0xb8;
	[tilespmem:$0x16400] =	vst v63  }
0x7b: {  	_ =	swait.ge [sflag:s25], $0x2000  }
0x7c: {  	s10 =	rddreg [dreg:$0x6];
	[sflag:s25] =	ssyncset.done $0x0  }
0x7d: {  	s9 =	simm.s32 @!p1 $0xB;
	[sflag:s25] =	ssyncadd.s32 $0xFFFFE000;
	s7 =	sadd.s32 s8, s10  }
0x7e: {  	[hbm4b:s7+s3] =	stream.linear.scatter [tilespmem:s21], [sflag:$0xB], $0x2000, $0x38;
	[tilespmem:$0x16400] =	vst v63  }
0x7f: {  	_ =	swait.ge @!p1 [sflag:s9], $0x2000  }
0x80: {  	[sflag:s9] =	ssyncset.done @!p1 $0x0  }
0x81: {  	s7 =	simm.s32 @!p1 $0xA400;
	[sflag:s9] =	ssyncadd.s32 @!p1 $0xFFFFE000  }
0x82: {  	[tilespmem:s7], [sflag:$0x3] =	stream.indirect.gather @!p1 [hbm4b:s4+s14], $0x40, s11, s14, $0xb8;
	[tilespmem:$0x16400] =	vst v63  }
0x83: {  	_ =	swait.ge [sflag:s26], $0x2000  }
0x84: {  	s13 =	simm.s32 $0xC400;
	[sflag:s26] =	ssyncset.done $0x0  }
0x85: {  	s9 =	simm.s32 @!p1 $0xC;
	s11 =	sadd.s32 $0xC00, s18;
	[sflag:s26] =	ssyncadd.s32 $0xFFFFE000  }
0x86: {  	[hbm4b:s11+s3] =	stream.linear.scatter [tilespmem:s13], [sflag:$0xC], $0x2000, $0x38;
	[tilespmem:$0x16400] =	vst v63  }
0x87: {  	_ =	swait.ge @!p1 [sflag:s9], $0x2000  }
0x88: {  	[sflag:s9] =	ssyncset.done @!p1 $0x0  }
0x89: {  	s7 =	simm.s32 @!p1 $0xC400;
	[sflag:s9] =	ssyncadd.s32 @!p1 $0xFFFFE000  }
0x8a: {  	[tilespmem:s7], [sflag:$0x4] =	stream.indirect.gather @!p1 [hbm4b:s4+s14], $0x40, s2, s14, $0xb8;
	[tilespmem:$0x16400] =	vst v63  }
0x8b: {  	_ =	swait.ge [sflag:s28], $0x2000  }
0x8c: {  	s11 =	simm.s32 $0xE400;
	s10 =	rddreg [dreg:$0x5];
	[sflag:s28] =	ssyncset.done $0x0  }
0x8d: {  	s7 =	simm.s32 @!p1 $0xD;
	[sflag:s28] =	ssyncadd.s32 $0xFFFFE000;
	s2 =	sadd.s32 s8, s10  }
0x8e: {  	[hbm4b:s2+s3] =	stream.linear.scatter [tilespmem:s11], [sflag:$0xD], $0x2000, $0x38;
	[tilespmem:$0x16400] =	vst v63  }
0x8f: {  	_ =	swait.ge @!p1 [sflag:s7], $0x2000  }
0x90: {  	[sflag:s7] =	ssyncset.done @!p1 $0x0  }
0x91: {  	s2 =	simm.s32 @!p1 $0xE400;
	[sflag:s7] =	ssyncadd.s32 @!p1 $0xFFFFE000  }
0x92: {  	[tilespmem:s2], [sflag:$0x5] =	stream.indirect.gather @!p1 [hbm4b:s4+s14], $0x40, s6, s14, $0xb8;
	[tilespmem:$0x16400] =	vst v63  }
0x93: {  	_ =	swait.ge [sflag:s29], $0x2000  }
0x94: {  	s12 =	sadd.s32 $0x1C00, s18;
	s13 =	sadd.s32 $0x1400, s18;
	[sflag:s29] =	ssyncset.done $0x0  }
0x95: {  	s18 =	simm.s32 $0x10400;
	s6 =	simm.s32 @!p1 $0xE;
	[sflag:s29] =	ssyncadd.s32 $0xFFFFE000  }
0x96: {  	[hbm4b:s13+s3] =	stream.linear.scatter [tilespmem:s18], [sflag:$0xE], $0x2000, $0x38;
	[tilespmem:$0x16400] =	vst v63  }
0x97: {  	_ =	swait.ge @!p1 [sflag:s6], $0x2000  }
0x98: {  	[sflag:s6] =	ssyncset.done @!p1 $0x0  }
0x99: {  	s2 =	simm.s32 @!p1 $0x10400;
	[sflag:s6] =	ssyncadd.s32 @!p1 $0xFFFFE000  }
0x9a: {  	[tilespmem:s2], [sflag:$0x6] =	stream.indirect.gather @!p1 [hbm4b:s4+s14], $0x40, s20, s14, $0xb8;
	[tilespmem:$0x16400] =	vst v63  }
0x9b: {  	s0 =	sadd.s32 $0x1000, s0;
	_ =	swait.ge [sflag:s30], $0x2000  }
0x9c: {  	p0 =	sne.s32 s0, $0x19000;
	s20 =	rddreg [dreg:$0x4];
	[sflag:s30] =	ssyncset.done $0x0  }
0x9d: {  	s6 =	simm.s32 @!p1 $0xF;
	[sflag:s30] =	ssyncadd.s32 $0xFFFFE000;
	s2 =	sadd.s32 s8, s20  }
0x9e: {  	[hbm4b:s2+s3] =	stream.linear.scatter [tilespmem:s19], [sflag:$0xF], $0x2000, $0x38;
	[tilespmem:$0x16400] =	vst v63  }
.Ltmp0:
0x9f: {  	_ =	swait.ge @!p1 [sflag:s6], $0x2000;
	(pc) =	sbr.rel @p0 .LBB2_2-.Ltmp0, $4  }
0xa0: {  	[sflag:s6] =	ssyncset.done @!p1 $0x0  }
0xa1: {  	s2 =	simm.s32 @!p1 $0x12400;
	[sflag:s6] =	ssyncadd.s32 @!p1 $0xFFFFE000  }
0xa2: {  	[tilespmem:s2], [sflag:$0x7] =	stream.indirect.gather @!p1 [hbm4b:s4+s14], $0x40, s16, s14, $0xb8;
	[tilespmem:$0x16400] =	vst v63  }
0xa3: {  	s8 =	sadd.s32 $0x2000, s8;
	p1 =	seq.s32 s1, $0x0;
	_ =	swait.ge [sflag:s31], $0x2000  }
0xa4: {  	[sflag:s31] =	ssyncset.done $0x0  }
0xa5: {  	s0 =	simm.s32 @!p1 $0x10;
	[sflag:s31] =	ssyncadd.s32 $0xFFFFE000  }
0xa6: {  	[hbm4b:s12+s3] =	stream.linear.scatter [tilespmem:s22], [sflag:$0x10], $0x2000, $0x38;
	[tilespmem:$0x16400] =	vst v63  }
0xa7: {  	_ =	swait.ge @!p1 [sflag:s0], $0x2000  }
0xa8: {  	s2 =	sshra.s32 s1, $0x2;
	[sflag:s0] =	ssyncset.done @!p1 $0x0  }
0xa9: {  	s2 =	sadd.s32 $0x380, s2;
	[sflag:s0] =	ssyncadd.s32 @!p1 $0xFFFFE000  }
0xaa: {  	[tilespmem:s22], [sflag:$0x8] =	stream.indirect.gather [hbm4b:s4+s15], $0x40, s2, s15, $0xb8;
	[tilespmem:$0x16400] =	vst v63  }
0xab: {  	_ =	swait.ge [sflag:s23], $0x2000  }
0xac: {  	p0 =	seq.s32 s1, $0x18000;
	s18 =	rddreg [dreg:$0x7];
	[sflag:s23] =	ssyncset.done $0x0  }
0xad: {  	s2 =	simm.s32 @!p0 $0x9;
	[sflag:s23] =	ssyncadd.s32 $0xFFFFE000;
	s0 =	sadd.s32 s8, s18  }
0xae: {  	[hbm4b:s0+s3] =	stream.linear.scatter [tilespmem:s17], [sflag:$0x9], $0x2000, $0x38;
	[tilespmem:$0x16400] =	vst v63  }
0xaf: {  	_ =	swait.ge @!p0 [sflag:s2], $0x2000  }
0xb0: {  	s7 =	simm.s32 @!p0 $0x6400;
	s0 =	sshra.s32 @!p0 s1, $0x2;
	[sflag:s2] =	ssyncset.done @!p0 $0x0  }
0xb1: {  	s1 =	simm.s32 @!p0 $0x80;
	s6 =	sadd.s32 @!p0 $0x400, s0;
	[sflag:s2] =	ssyncadd.s32 @!p0 $0xFFFFE000  }
0xb2: {  	[tilespmem:s7], [sflag:$0x1] =	stream.indirect.gather @!p0 [hbm4b:s4+s1], $0x40, s6, s1, $0xb8;
	[tilespmem:$0x16400] =	vst v63  }
0xb3: {  	_ =	swait.ge [sflag:s24], $0x2000  }
0xb4: {  	s9 =	simm.s32 $0x8400;
	s6 =	sadd.s32 s8, s5;
	[sflag:s24] =	ssyncset.done $0x0  }
0xb5: {  	s7 =	simm.s32 @!p0 $0xA;
	s20 =	sadd.s32 $0x400, s6;
	[sflag:s24] =	ssyncadd.s32 $0xFFFFE000  }
0xb6: {  	[hbm4b:s20+s3] =	stream.linear.scatter [tilespmem:s9], [sflag:$0xA], $0x2000, $0x38;
	[tilespmem:$0x16400] =	vst v63  }
0xb7: {  	_ =	swait.ge @!p0 [sflag:s7], $0x2000  }
0xb8: {  	[sflag:s7] =	ssyncset.done @!p0 $0x0  }
0xb9: {  	s2 =	sadd.s32 @!p0 $0x480, s0;
	[sflag:s7] =	ssyncadd.s32 @!p0 $0xFFFFE000;
	s7 =	simm.s32 @!p0 $0x8400  }
0xba: {  	[tilespmem:s7], [sflag:$0x2] =	stream.indirect.gather @!p0 [hbm4b:s4+s1], $0x40, s2, s1, $0xb8;
	[tilespmem:$0x16400] =	vst v63  }
0xbb: {  	_ =	swait.ge [sflag:s25], $0x2000  }
0xbc: {  	s10 =	rddreg [dreg:$0x6];
	[sflag:s25] =	ssyncset.done $0x0  }
0xbd: {  	s7 =	simm.s32 @!p0 $0xB;
	[sflag:s25] =	ssyncadd.s32 $0xFFFFE000;
	s2 =	sadd.s32 s8, s10  }
0xbe: {  	[hbm4b:s2+s3] =	stream.linear.scatter [tilespmem:s21], [sflag:$0xB], $0x2000, $0x38;
	[tilespmem:$0x16400] =	vst v63  }
0xbf: {  	_ =	swait.ge @!p0 [sflag:s7], $0x2000  }
0xc0: {  	[sflag:s7] =	ssyncset.done @!p0 $0x0  }
0xc1: {  	s2 =	sadd.s32 @!p0 $0x500, s0;
	[sflag:s7] =	ssyncadd.s32 @!p0 $0xFFFFE000;
	s7 =	simm.s32 @!p0 $0xA400  }
0xc2: {  	[tilespmem:s7], [sflag:$0x3] =	stream.indirect.gather @!p0 [hbm4b:s4+s1], $0x40, s2, s1, $0xb8;
	[tilespmem:$0x16400] =	vst v63  }
0xc3: {  	_ =	swait.ge [sflag:s26], $0x2000  }
0xc4: {  	s12 =	simm.s32 $0xC400;
	[sflag:s26] =	ssyncset.done $0x0  }
0xc5: {  	s11 =	sadd.s32 $0xC00, s6;
	s7 =	simm.s32 @!p0 $0xC;
	[sflag:s26] =	ssyncadd.s32 $0xFFFFE000  }
0xc6: {  	[hbm4b:s11+s3] =	stream.linear.scatter [tilespmem:s12], [sflag:$0xC], $0x2000, $0x38;
	[tilespmem:$0x16400] =	vst v63  }
0xc7: {  	_ =	swait.ge @!p0 [sflag:s7], $0x2000  }
0xc8: {  	[sflag:s7] =	ssyncset.done @!p0 $0x0  }
0xc9: {  	s2 =	sadd.s32 @!p0 $0x580, s0;
	[sflag:s7] =	ssyncadd.s32 @!p0 $0xFFFFE000;
	s7 =	simm.s32 @!p0 $0xC400  }
0xca: {  	[tilespmem:s7], [sflag:$0x4] =	stream.indirect.gather @!p0 [hbm4b:s4+s1], $0x40, s2, s1, $0xb8;
	[tilespmem:$0x16400] =	vst v63  }
0xcb: {  	_ =	swait.ge [sflag:s28], $0x2000  }
0xcc: {  	s14 =	simm.s32 $0xE400;
	s13 =	rddreg [dreg:$0x5];
	[sflag:s28] =	ssyncset.done $0x0  }
0xcd: {  	s7 =	simm.s32 @!p0 $0xD;
	[sflag:s28] =	ssyncadd.s32 $0xFFFFE000;
	s2 =	sadd.s32 s8, s13  }
0xce: {  	[hbm4b:s2+s3] =	stream.linear.scatter [tilespmem:s14], [sflag:$0xD], $0x2000, $0x38;
	[tilespmem:$0x16400] =	vst v63  }
0xcf: {  	_ =	swait.ge @!p0 [sflag:s7], $0x2000  }
0xd0: {  	[sflag:s7] =	ssyncset.done @!p0 $0x0  }
0xd1: {  	s2 =	sadd.s32 @!p0 $0x600, s0;
	[sflag:s7] =	ssyncadd.s32 @!p0 $0xFFFFE000;
	s7 =	simm.s32 @!p0 $0xE400  }
0xd2: {  	[tilespmem:s7], [sflag:$0x5] =	stream.indirect.gather @!p0 [hbm4b:s4+s1], $0x40, s2, s1, $0xb8;
	[tilespmem:$0x16400] =	vst v63  }
0xd3: {  	_ =	swait.ge [sflag:s29], $0x2000  }
0xd4: {  	s18 =	simm.s32 $0x10400;
	[sflag:s29] =	ssyncset.done $0x0  }
0xd5: {  	s16 =	sadd.s32 $0x1400, s6;
	s7 =	simm.s32 @!p0 $0xE;
	[sflag:s29] =	ssyncadd.s32 $0xFFFFE000  }
0xd6: {  	[hbm4b:s16+s3] =	stream.linear.scatter [tilespmem:s18], [sflag:$0xE], $0x2000, $0x38;
	[tilespmem:$0x16400] =	vst v63  }
0xd7: {  	_ =	swait.ge @!p0 [sflag:s7], $0x2000  }
0xd8: {  	[sflag:s7] =	ssyncset.done @!p0 $0x0  }
0xd9: {  	s2 =	sadd.s32 @!p0 $0x680, s0;
	[sflag:s7] =	ssyncadd.s32 @!p0 $0xFFFFE000;
	s7 =	simm.s32 @!p0 $0x10400  }
0xda: {  	[tilespmem:s7], [sflag:$0x6] =	stream.indirect.gather @!p0 [hbm4b:s4+s1], $0x40, s2, s1, $0xb8;
	[tilespmem:$0x16400] =	vst v63  }
0xdb: {  	_ =	swait.ge [sflag:s30], $0x2000  }
0xdc: {  	s20 =	rddreg [dreg:$0x4];
	[sflag:s30] =	ssyncset.done $0x0  }
0xdd: {  	s2 =	sadd.s32 s8, s20;
	[sflag:s30] =	ssyncadd.s32 $0xFFFFE000  }
0xde: {  	[hbm4b:s2+s3] =	stream.linear.scatter [tilespmem:s19], [sflag:$0xF], $0x2000, $0x38;
	[tilespmem:$0x16400] =	vst v63  }
0xdf: {  	s2 =	simm.s32 @!p0 $0xF  }
0xe0: {  	_ =	swait.ge @!p0 [sflag:s2], $0x2000  }
0xe1: {  	[sflag:s2] =	ssyncset.done @!p0 $0x0  }
0xe2: {  	s0 =	sadd.s32 @!p0 $0x700, s0;
	[sflag:s2] =	ssyncadd.s32 @!p0 $0xFFFFE000;
	s2 =	simm.s32 @!p0 $0x12400  }
0xe3: {  	[tilespmem:s2], [sflag:$0x7] =	stream.indirect.gather @!p0 [hbm4b:s4+s1], $0x40, s0, s1, $0xb8;
	[tilespmem:$0x16400] =	vst v63  }
0xe4: {  	_ =	swait.ge [sflag:s31], $0x2000  }
0xe5: {  	[sflag:s31] =	ssyncset.done $0x0  }
0xe6: {  	s7 =	sadd.s32 $0x1C00, s6;
	s8 =	simm.s32 $0x9;
	[sflag:s31] =	ssyncadd.s32 $0xFFFFE000  }
0xe7: {  	[hbm4b:s7+s3] =	stream.linear.scatter [tilespmem:s22], [sflag:$0x10], $0x2000, $0x38;
	[tilespmem:$0x16400] =	vst v63  }
0xe8: {  	_ =	swait.ge [sflag:s8], $0x2000  }
0xe9: {  	[sflag:s8] =	ssyncset.done $0x0  }
0xea: {  	s9 =	simm.s32 $0xA;
	[sflag:s8] =	ssyncadd.s32 $0xFFFFE000  }
0xeb: {  	_ =	swait.ge [sflag:s9], $0x2000  }
0xec: {  	[sflag:s9] =	ssyncset.done $0x0  }
0xed: {  	s10 =	simm.s32 $0xB;
	[sflag:s9] =	ssyncadd.s32 $0xFFFFE000  }
0xee: {  	_ =	swait.ge [sflag:s10], $0x2000  }
0xef: {  	[sflag:s10] =	ssyncset.done $0x0  }
0xf0: {  	s11 =	simm.s32 $0xC;
	[sflag:s10] =	ssyncadd.s32 $0xFFFFE000  }
0xf1: {  	_ =	swait.ge [sflag:s11], $0x2000  }
0xf2: {  	[sflag:s11] =	ssyncset.done $0x0  }
0xf3: {  	s12 =	simm.s32 $0xD;
	[sflag:s11] =	ssyncadd.s32 $0xFFFFE000  }
0xf4: {  	_ =	swait.ge [sflag:s12], $0x2000  }
0xf5: {  	[sflag:s12] =	ssyncset.done $0x0  }
0xf6: {  	s13 =	simm.s32 $0xE;
	[sflag:s12] =	ssyncadd.s32 $0xFFFFE000  }
0xf7: {  	_ =	swait.ge [sflag:s13], $0x2000  }
0xf8: {  	[sflag:s13] =	ssyncset.done $0x0  }
0xf9: {  	s14 =	simm.s32 $0xF;
	[sflag:s13] =	ssyncadd.s32 $0xFFFFE000  }
0xfa: {  	_ =	swait.ge [sflag:s14], $0x2000  }
0xfb: {  	[sflag:s14] =	ssyncset.done $0x0  }
0xfc: {  	s16 =	simm.s32 $0x10;
	[sflag:s14] =	ssyncadd.s32 $0xFFFFE000  }
0xfd: {  	_ =	swait.ge [sflag:s16], $0x2000  }
0xfe: {  	s18 =	rddreg [dreg:$0xa]  }
0xff: {  	s20 =	rddreg [dreg:$0x9];
	s2 =	sadd.s32 $0x1, s18  }
0x100: {  	p0 =	sne.s32 s2, s20  }
.Ltmp1:
0x101: {  	_ = 	snop;
	(pc) =	sbr.rel @p0 .LBB2_1-.Ltmp1, $3  }
0x102: {  	_ =	sdelay $0x1  }
0x103: {  	[sflag:s16] =	ssyncset.done $0x0  }
0x104: {  	[sflag:s16] =	ssyncadd.s32 $0xFFFFE000  }
0x105: {  	_ =	sfence.sel $0x180000  }
0x106: {  	[bflag:$0x0] =	sbarrier.arrive $0xFFFF  }
0x107: {  	_ =	strace $0x90000047  }
0x108: {  	s0 =	stileid.u32;
	[bflag:$0x2] =	sbarrier.arrive $0xFFFF  }
0x109: {  	p0 =	sne.s32 s0, $0x0;
	s0 =	rddreg [dreg:$0x3]  }
0x10a: {  	s0 =	sadd.s32 @!p0 $0x100000, s0  }
0x10b: {  	[sflag:s0] =	ssyncadd.tile.s32 @!p0 $0x1;
	_ =	shalt  }
.Lfunc_end2:
_tile_overlayer_lowered:
.L_overlay_start_2:
0x10c: {  	(tag) =	ssettag $0x2  }
0x10d: {  	s0 =	rddreg [dreg:$0x0];
	s2 =	stileid.u32  }
0x10e: {  	s1 =	rddreg [dreg:$0x1];
	p0 =	sne.s32 s2, $0x0  }
0x10f: {  	s3 =	rddreg [dreg:$0x2];
	[bflag:$0x3] =	sbarrier.arrive $0xFFFF;
	s2 =	simm.s32 @!p0 $0x1C11  }
0x110: {  	[timem:s3], [sflag:s2] =	dma.local @!p0 [hbm:s0], s1  }
0x111: {  	s0 =	simm.s32 @!p0 $0x11  }
0x112: {  	_ =	swait.ge @!p0 [sflag:s0], s1  }
0x113: {  	s1 =	ssub.s32 @!p0 $0x0, s1;
	[sflag:s0] =	ssyncset.done @!p0 $0x0  }
0x114: {  	[sflag:s0] =	ssyncadd.s32 @!p0 s1  }
0x115: {  	[bflag:$0x3] =	sbarrier.arrive $0xFFFF  }
0x116: {  	_ =	shalt  }

// kernel: sparse-core-data-format-call.cloned.1.call-start
scs
called_computation_lowered:
.L_overlay_start_0:
0x0: {  	s2 =	sld [smem:$0x3FD9]  }
0x1: {  	s3 =	sld [smem:$0x3FFE];
	_ =	sdelay $0x1  }
0x2: {  	s1 =	srdreg.scid  }
0x3: {  	s0 =	sand.u32 $0x1, s1  }
0x4: {  	s18 =	sshll.u32 s0, $0xA;
	s2 =	sadd.s32 s3, s2  }
0x5: {  	s2 =	sadd.s32 s2, s18  }
0x6: {  	[smem:$0x3FC6] =	sst s2  }
0x7: {  	_ = 	snop  }
0x8: {  	s2 =	sld [smem:$0x3FD0];
	(tm) =	ssettm $0x1  }
0x9: {  	s19 =	sld [smem:$0x3FFB];
	_ =	sdelay $0x3  }
0xa: {  	_ =	strace s19  }
0xb: {  	s3 =	sld [smem:$0x3FFC];
	_ =	sdelay $0x3  }
0xc: {  	_ =	strace s3  }
0xd: {  	s3 =	sld [smem:$0x3FFD];
	_ =	sdelay $0x3  }
0xe: {  	_ =	strace s3  }
0xf: {  	_ =	strace $0x8FFFFFFF  }
0x10: {  	s20 =	sld [smem:$0x3FDB];
	_ =	sdelay $0x1  }
0x11: {  	s4 =	simm.s32 $_scs_section_size  }
0x12: {  	s5 =	simm.s32 $_size__tile_overlayer_lowered;
	s6 =	simm.s32 $_tile_overlayer_lowered  }
0x13: {  	s23 =	simm.s32 $0x1BFF;
	s22 =	sshll.u32 s6, $0x1;
	s3 =	sadd.s32 s4, s20  }
0x14: {  	s7 =	simm.s32 $0x0;
	s21 =	sshll.u32 s5, $0x1;
	s5 =	sadd.s32 s22, s3  }
0x15: {  	[timem:s7], [sflag:s23] =	dma.local [hbm:s5], s21  }
0x16: {  	_ =	swait.ge [sflag:s23], s21  }
0x17: {  	s4 =	ssub.s32 $0x0, s21;
	[sflag:s23] =	ssyncset.done $0x0  }
0x18: {  	[sflag:s23] =	ssyncadd.s32 s4;
	_ =	sdelay $0x1  }
0x19: {  	s24 =	simm.s32 $0x1B8B  }
0x1a: {  	_ =	swait.ge [sflag:s24], $0x1  }
0x1b: {  	[sflag:s24] =	ssyncset.done $0x0  }
0x1c: {  	s26 =	simm.s32 $0x1B8E;
	s25 =	sld [smem:$0x3FFE];
	[sflag:s24] =	ssyncadd.s32 $0xFFFFFFFF  }
0x1d: {  	s27 =	simm.s32 $execute0_lowered;
	[smem:$0x3FD2] =	sst s26  }
0x1e: {  	s5 =	sshll.u32 s27, $0x1;
	_ =	strace $0x80000049;
	[dreg:$0x1] =	wrdreg $0xFFFFFFFF  }
0x1f: {  	s28 =	simm.s32 $_size_execute0_lowered;
	s3 =	sadd.s32 s3, s5;
	[dreg:$0x0] =	wrdreg $0x0  }
0x20: {  	s5 =	sshll.u32 s28, $0x1;
	[dreg:$0x2] =	wrdreg s3  }
0x21: {  	[dreg:$0x3] =	wrdreg s5  }
0x22: {  	[dreg:$0x4] =	wrdreg $0xC0  }
0x23: {  	_ =	task [dreg:s7], $0x5FFFF  }
0x24: {  	[dreg:$0x1] =	wrdreg $0xFFFFFFFF  }
0x25: {  	[dreg:$0x0] =	wrdreg $0x60  }
0x26: {  	[dreg:$0x2] =	wrdreg s25  }
0x27: {  	[dreg:$0x3] =	wrdreg s2  }
0x28: {  	[dreg:$0x4] =	wrdreg $0x9  }
0x29: {  	_ =	task.clear_ibuf [dreg:s7], $0x5FFFF;
	_ =	strace $0x90000049  }
0x2a: {  	s29 =	simm.s32 $0x9;
	_ =	strace $0x8000004B  }
0x2b: {  	_ =	swait.ge [sflag:s29], $0x1  }
0x2c: {  	[sflag:s29] =	ssyncadd.s32 $0xFFFFFFFF  }
0x2d: {  	_ =	strace $0x9000004B  }
0x2e: {  	_ =	sfence  }
0x2f: {  	s30 =	sld [smem:$0x0];
	_ =	sdelay $0x2  }
0x30: {  	s31 =	sshll.u32 s1, $0xD;
	s1 =	sshrl.u32 s1, $0x2  }
0x31: {  	s3 =	sand.u32 $0x4000, s31;
	s1 =	sadd.s32 s1, s30  }
0x32: {  	s0 =	sor.u32 s3, s0;
	s1 =	sshll.u32 s1, $0x11  }
0x33: {  	s0 =	sor.u32 s1, s0  }
0x34: {  	s0 =	sadd.s32 $0x8F2B, s0  }
0x35: {  	[sflag:s0] =	ssyncadd.remote.s32 $0x1  }
0x36: {  	_ =	sfence.sel $0xFFFF  }
0x37: {  	[dreg:$0x0] =	wrdreg $0xFFFFFFFF;
	(pc) =	sbr.abs _section_cstart, $3  }
0x38: {  	[dreg:$0x1] =	wrdreg $0xFFFFFFFF  }
0x39: {  	_ =	task.clear_ibuf [dreg:s7], $0x2FFFF;
	_ =	strace $0x9FFFFFFF  }
0x3a: {  	(tm) =	ssettm $0x7FFFFFFF  }
0x3b: {  	_ =	shalt  }
tec
execute0_lowered:
.L_overlay_start_1:
0x0: {  	(tag) =	ssettag $0x1  }
0x1: {  	s0 =	srdreg.scid  }
0x2: {  	s1 =	sshll.u32 s0, $0x4  }
0x3: {  	s4 =	rddreg [dreg:$0x0];
	s0 =	stileid.u32;
	s1 =	sand.u32 $0x10, s1  }
0x4: {  	s2 =	rddreg [dreg:$0x1];
	s7 =	simm.s32 $0x1;
	s1 =	sor.u32 s0, s1  }
0x5: {  	s8 =	simm.s32 $0x2;
	s11 =	simm.s32 $0x0;
	s3 =	sshll.u32 s1, $0x1  }
0x6: {  	s10 =	simm.s32 $0x0;
	s4 =	sadd.s32 $0x800, s4;
	s6 =	ssub.s32 $0x1900, s3  }
.Ltmp0:
0x7: {  	s1 =	rddreg [dreg:$0x2];
	s5 =	sand.u32 $0x3E, s6;
	(pc) =	sbr.rel .LBB1_1-.Ltmp0, $4  }
0x8: {  	_ =	strace $0x8000004A;
	s9 =	smov.u32 s3;
	p0 =	sne.s32 s5, $0x0  }
0x9: {  	s6 =	sshrl.u32 s6, $0x6;
	s5 =	simm.s32 $0x1;
	s7 =	simm.s32 @!p0 $0x0  }
0xa: {  	[sflag:s5] =	ssyncpa.u1 $0x0;
	p0 =	por $0x0, $0x0;
	s6 =	sadd.s32 s7, s6  }
0xb: {  	[sflag:s8] =	ssyncpa.u1 $0x0;
	s8 =	simm.s32 $0x0;
	s7 =	sadd.s32 $0x1, s6  }
.LBB1_7:
0xc: {  	s13 =	sadd.s32 $0x40, s9  }
0xd: {  	p2 =	sgt.s32 s13, $0x18FF  }
0xe: {  	s13 =	smov.u32 @p2 s3;
	p2 =	sne.s32 s10, s7  }
.Ltmp1:
0xf: {  	p1 =	slt.u32 s10, $0x2;
	(pc) =	sbr.rel @!p2 .LBB1_8-.Ltmp1, $4  }
0x10: {  	s12 =	simm.s32 @!p1 $0x2  }
0x11: {  	s14 =	sadd.s32 $0x1, s10;
	_ =	swait.ge @!p1 [sflag:s12], $0x4000  }
0x12: {  	s11 =	smov.u32 s9;
	p0 =	por !p0, !p0;
	[sflag:s12] =	ssyncset.done @!p1 $0x0  }
0x13: {  	s10 =	smov.u32 s14;
	s9 =	smov.u32 s13;
	[sflag:s12] =	ssyncadd.s32 @!p1 $0xFFFFC000  }
.LBB1_1:
0x14: {  	p1 =	sge.u32 s10, s6  }
0x15: {  	s31 =	sadd.s32 $0xFFFFFFFF, s10;
	s12 =	sxor.u32 @!p1 $0xFFFFFFFF, s10  }
0x16: {  	s13 =	sshll.u32 @!p1 s9, $0xB;
	s14 =	simm.s32 @!p1 $0x40;
	s12 =	sshll.u32 @!p1 s12, $0xE  }
0x17: {  	s15 =	simm.s32 @!p1 $0x80;
	s13 =	sadd.s32 @!p1 s4, s13;
	s12 =	sand.u32 @!p1 $0x4000, s12  }
0x18: {  	[tilespmem:s12], [sflag:$0x1] =	stream.strided.gather @!p1 [hbm4b:s13+s14], $0x4000, s15, s14, $0x38;
	[tilespmem:$0x10100] =	vst v63  }
0x19: {  	p1 =	sge.u32 s31, s6  }
.Ltmp2:
0x1a: {  	_ = 	snop;
	(pc) =	sbr.rel @p1 .LBB1_7-.Ltmp2, $1  }
0x1b: {  	_ =	sdelay $0x3  }
0x1c: {  	s12 =	simm.s32 $0x1;
	s14 =	sand.u32 $0x1, s10  }
0x1d: {  	_ =	swait.ge [sflag:s5], $0x4000;
	s12 =	simm.s32 @!p0 $0x0;
	s14 =	smul.u32 $0x10200, s14  }
0x1e: {  	p2 =	por $0x1, $0x1;
	[sflag:s5] =	ssyncset.done $0x0;
	s13 =	smul.u32 $0x10200, s12  }
0x1f: {  	s15 =	sshll.u32 s12, $0x10;
	[sflag:s5] =	ssyncadd.s32 $0xFFFFC000;
	s30 =	sshrl.u32 s14, $0x2  }
0x20: {  	s31 =	sshrl.u32 s15, $0x2;
	s15 =	simm.s32 $0x0;
	s13 =	sshrl.u32 s13, $0x2  }
0x21: {  	s12 =	sor.u32 $0x8000, s30;
	s14 =	sadd.s32 $0x20, s31;
	s13 =	sor.u32 $0x8000, s13  }
.LBB1_3:
0x22: {  	s16 =	sshll.u32 s15, $0xD  }
0x23: {  	s16 =	sand.u32 $0x3FFFE000, s16  }
0x24: {  	s18 =	sadd.s32 s16, s14  }
0x25: {  	s31 =	smul.u32 $0x8100, s15;
	v3 =	vld [tilespmem:s18+$0x10]  }
0x26: {  	v1 =	vld [tilespmem:s18+$0xFFFFFFF0]  }
0x27: {  	s15 =	sshra.s32 s31, $0x2;
	v0 =	vld [tilespmem:s18+$0x0]  }
0x28: {  	s15 =	sadd.s32 s15, s13;
	v2 =	vld [tilespmem:s18+$0xFFFFFFE0]  }
0x29: {  	s16 =	sadd.s32 $0x0, s15  }
0x2a: {  	p1 =	por p2, p2;
	s17 =	simm.s32 $0x4;
	s18 =	sadd.s32 $0x40, s18;
	[tilespmem:s16+$0x1830 ss:$0x81] =	vst.msk $0xffff, v3  }
.LBB1_4:
0x2b: {  	v3 =	vld [tilespmem:s18+$0x10];
	p2 =	sne.s32 s17, $0x1FC;
	[tilespmem:s16+$0x810 ss:$0x81] =	vst.msk $0xffff, v1;
	s19 =	smov.u32 s17;
	s17 =	sadd.s32 $0x4, s17  }
.Ltmp3:
0x2c: {  	v1 =	vld [tilespmem:s18+$0xFFFFFFF0];
	[tilespmem:s16+$0x1020 ss:$0x81] =	vst.msk $0xffff, v0;
	(pc) =	sbr.rel @p2 .LBB1_4-.Ltmp3, $4  }
0x2d: {  	v0 =	vld [tilespmem:s18+$0x0];
	[tilespmem:s16+$0x0 ss:$0x81] =	vst.msk $0xffff, v2  }
0x2e: {  	s16 =	sshra.s32 s19, $0x2;
	v2 =	vld [tilespmem:s18+$0xFFFFFFE0]  }
0x2f: {  	s16 =	sadd.s32 s16, s15  }
0x30: {  	s18 =	sadd.s32 $0x40, s18;
	[tilespmem:s16+$0x1830 ss:$0x81] =	vst.msk $0xffff, v3  }
.Ltmp4:
0x31: {  	(pc) =	sbr.rel @p1 .LBB1_3-.Ltmp4, $4  }
0x32: {  	_ = 	snop  }
0x33: {  	[tilespmem:s16+$0x810 ss:$0x81] =	vst.msk $0xffff, v1  }
0x34: {  	[tilespmem:s16+$0x1020 ss:$0x81] =	vst.msk $0xffff, v0  }
0x35: {  	s15 =	simm.s32 $0x1;
	p2 =	por $0x0, $0x0;
	[tilespmem:s16+$0x0 ss:$0x81] =	vst.msk $0xffff, v2  }
.Ltmp5:
0x36: {  	(pc) =	sbr.rel .LBB1_7-.Ltmp5, $4  }
0x37: {  	_ = 	snop  }
0x38: {  	s11 =	sshll.u32 s11, $0xA  }
0x39: {  	s11 =	sadd.s32 s2, s11  }
0x3a: {  	[hbm4b:s11+s8] =	stream.linear.scatter [tilespmem:s12], [sflag:$0x2], $0x4000, $0x20;
	[tilespmem:$0x10100] =	vst v63  }
.LBB1_8:
0x3b: {  	_ =	sfence.sel $0x180000  }
0x3c: {  	s2 =	simm.s32 $0x1;
	[bflag:$0x0] =	sbarrier.arrive $0xFFFF  }
0x3d: {  	s31 =	simm.s32 $0x2;
	[sflag:s2] =	ssyncpa.u1 $0x1  }
0x3e: {  	[sflag:s31] =	ssyncpa.u1 $0x1  }
0x3f: {  	p0 =	sne.s32 s0, $0x0;
	_ =	strace $0x9000004A  }
0x40: {  	s0 =	sadd.s32 @!p0 $0x100000, s1;
	[bflag:$0x2] =	sbarrier.arrive $0xFFFF  }
0x41: {  	[sflag:s0] =	ssyncadd.tile.s32 @!p0 $0x1;
	_ =	shalt  }
.Lfunc_end1:
_tile_overlayer_lowered:
.L_overlay_start_2:
0x42: {  	(tag) =	ssettag $0x2  }
0x43: {  	s0 =	rddreg [dreg:$0x0];
	s2 =	stileid.u32  }
0x44: {  	s1 =	rddreg [dreg:$0x1];
	p0 =	sne.s32 s2, $0x0  }
0x45: {  	s3 =	rddreg [dreg:$0x2];
	[bflag:$0x3] =	sbarrier.arrive $0xFFFF;
	s2 =	simm.s32 @!p0 $0x1C01  }
0x46: {  	[timem:s3], [sflag:s2] =	dma.local @!p0 [hbm:s0], s1  }
0x47: {  	s0 =	simm.s32 @!p0 $0x1  }
0x48: {  	_ =	swait.ge @!p0 [sflag:s0], s1  }
0x49: {  	s1 =	ssub.s32 @!p0 $0x0, s1;
	[sflag:s0] =	ssyncset.done @!p0 $0x0  }
0x4a: {  	[sflag:s0] =	ssyncadd.s32 @!p0 s1  }
0x4b: {  	[bflag:$0x3] =	sbarrier.arrive $0xFFFF  }
0x4c: {  	_ =	shalt  }

</sc_bundles>
